<compile_context>
chip_gen: v7x
topology: tpu7x:2x2x1
jax: 0.10.2.dev20260603
libtpu: 0.0.44.dev20260713+nightly
codegen_flags: <defaults>
</compile_context>

<pallas_src>
import functools

import jax
import jax.numpy as jnp
from jax import lax
from jax.experimental import pallas as pl
from jax.experimental.pallas import tpu as pltpu
from jax.experimental.pallas import tpu_sc as plsc

_LANES = 16


def kernel(features, labels, centers):
    B, D = features.shape
    V = centers.shape[0]
    n_cores, n_sub = 2, 16
    n_workers = n_cores * n_sub
    cols_per_w = D // n_workers
    chunk = 4096
    n_chunks = B // chunk
    unroll = 4
    it_per_chunk = chunk // (_LANES * unroll)

    labels32 = labels.astype(jnp.int32)
    feat_t = features.T
    cent_t = centers.T

    mesh = plsc.VectorSubcoreMesh(core_axis_name="c", subcore_axis_name="s")

    @functools.partial(
        pl.kernel,
        mesh=mesh,
        compiler_params=pltpu.CompilerParams(needs_layout_passes=False),
        out_type=jax.ShapeDtypeStruct((n_workers, _LANES), jnp.float32),
        scratch_types=[
            pltpu.VMEM((V,), jnp.float32),
            pltpu.VMEM((B,), jnp.int32),
            pltpu.VMEM((2, chunk), jnp.float32),
            pltpu.VMEM((_LANES,), jnp.float32),
            pltpu.SemaphoreType.DMA,
            pltpu.SemaphoreType.DMA,
            pltpu.SemaphoreType.DMA,
            pltpu.SemaphoreType.DMA,
        ],
    )
    def run(feat_hbm, lab_hbm, cent_hbm, out_hbm,
            row_v, lab_v, fchunk_v, out_v, rsem, lsem, csem_a, csem_b):
        wid = lax.axis_index("s") * n_cores + lax.axis_index("c")
        csems = (csem_a, csem_b)

        def fire_chunk(c, k):
            b = k % 2
            return pltpu.async_copy(
                feat_hbm.at[c, pl.ds(k * chunk, chunk)], fchunk_v.at[b],
                csems[b])

        def fire_row(c):
            return [pltpu.async_copy(cent_hbm.at[c], row_v, rsem)]

        lcopy = pltpu.async_copy(lab_hbm, lab_v, lsem)
        rcopies = fire_row(wid * cols_per_w)
        lcopy.wait()

        zero = jnp.zeros((_LANES,), jnp.float32)
        accs = [zero] * unroll
        for r in range(cols_per_w):
            c = wid * cols_per_w + r
            pending = fire_chunk(c, 0)
            for rc in rcopies:
                rc.wait()
            for k in range(n_chunks):
                pending.wait()
                if k + 1 < n_chunks:
                    pending = fire_chunk(c, k + 1)
                b = k % 2
                base = k * chunk

                def body(i, a, _b=b, _base=base):
                    out = []
                    for u in range(unroll):
                        off = i * (_LANES * unroll) + u * _LANES
                        idx = lab_v[pl.ds(_base + off, _LANES)]
                        f = fchunk_v[_b, pl.ds(off, _LANES)]
                        cv = plsc.load_gather(row_v, [idx])
                        d = f - cv
                        out.append(a[u] + d * d)
                    return tuple(out)

                accs = list(lax.fori_loop(0, it_per_chunk, body, tuple(accs)))

            if r + 1 < cols_per_w:
                rcopies = fire_row(c + 1)

        total = accs[0]
        for a in accs[1:]:
            total = total + a
        out_v[...] = total
        pltpu.sync_copy(out_v, out_hbm.at[wid])

    partials = run(feat_t, labels32, cent_t)
    return jnp.sum(partials) / (B * D)

# --- scband reference (transcript-rebuilt; emitter-appended) ---
"""Pipeline reference for scband-center-loss-936302871330 (READ-ONLY COPY).

The authoritative reference and input builder live on the scoring server;
editing this copy changes nothing except your own understanding.
"""

import jax, jax.numpy as jnp
import numpy as np

NUM_CLASSES = 100000
FEAT_DIM = 64
BATCH = 16384

def setup_inputs(seed: int = 0) -> dict:
    key = jax.random.key(seed)
    k1, k2, k3 = jax.random.split(key, 3)
    features = jax.random.normal(k1, (BATCH, FEAT_DIM), dtype=jnp.float32)
    labels = jax.random.randint(k2, (BATCH,), 0, NUM_CLASSES, dtype=jnp.int64)
    centers = jax.random.normal(k3, (NUM_CLASSES, FEAT_DIM), dtype=jnp.float32)
    return {"features": features, "labels": labels, "centers": centers}

def reference(features, labels, centers):
    # centers_batch = self.centers.index_select(0, labels)
    centers_batch = jnp.take(centers, labels, axis=0)
    # nn.MSELoss() default reduction='mean' over all elements
    center_loss = jnp.mean((features - centers_batch) ** 2)
    return center_loss

if __name__ == "__main__":
    import jax
    _d = setup_inputs()
    print(jax.jit(kernel)(*tuple(_d.values())))

</pallas_src>

<mosaic_0001>
#map = affine_map<(d0, d1) -> (0, 0)>
#map1 = affine_map<(d0, d1) -> (0)>
module attributes {stable_mosaic.version = 14 : i64} {
  func.func @run(%arg0: i32, %arg1: i32, %arg2: memref<64x16384xf32, #tpu.memory_space<hbm>>, %arg3: memref<16384xi32, #tpu.memory_space<hbm>>, %arg4: memref<64x100000xf32, #tpu.memory_space<hbm>>, %arg5: memref<32x16xf32, #tpu.memory_space<hbm>>, %arg6: memref<100000xf32, #tpu.memory_space<vmem>>, %arg7: memref<16384xi32, #tpu.memory_space<vmem>>, %arg8: memref<2x4096xf32, #tpu.memory_space<vmem>>, %arg9: memref<16xf32, #tpu.memory_space<vmem>>, %arg10: memref<!tpu.dma_semaphore, #tpu.memory_space<semaphore_mem>>, %arg11: memref<!tpu.dma_semaphore, #tpu.memory_space<semaphore_mem>>, %arg12: memref<!tpu.dma_semaphore, #tpu.memory_space<semaphore_mem>>, %arg13: memref<!tpu.dma_semaphore, #tpu.memory_space<semaphore_mem>>) attributes {dimension_semantics = [#tpu.dimension_semantics<core_parallel>, #tpu.dimension_semantics<subcore_parallel>], iteration_bounds = array<i64: 2, 16>, scalar_prefetch = 0 : i64, scratch_operands = 8 : i64, tpu.core_type = #tpu.core_type<sc_vector_subcore>, window_params = [{transform_indices = #map}, {transform_indices = #map1}, {transform_indices = #map}, {transform_indices = #map}]} {
    %mul3A = arith.constant 2 : i32
    %mul3A_0 = arith.muli %arg1, %mul3A : i32
    %add3A = arith.addi %mul3A_0, %arg0 : i32
    tpu.enqueue_dma source(%arg3 : memref<16384xi32, #tpu.memory_space<hbm>>) target(%arg7 : memref<16384xi32, #tpu.memory_space<vmem>>) target_semaphore(%arg11 : memref<!tpu.dma_semaphore, #tpu.memory_space<semaphore_mem>>)
    %mul3A_1 = arith.constant 2 : i32
    %mul3A_2 = arith.muli %add3A, %mul3A_1 : i32
    %dma_start3A = arith.constant 0 : i32
    %dma_start3A_3 = tpu.memref_slice %arg4[%mul3A_2, %dma_start3A] : memref<64x100000xf32, #tpu.memory_space<hbm>> -> memref<1x100000xf32, #tpu.memory_space<hbm>>
    %dma_start3A_4 = tpu.memref_squeeze %dma_start3A_3 : memref<1x100000xf32, #tpu.memory_space<hbm>> -> memref<100000xf32, #tpu.memory_space<hbm>>
    %dma_start3A_5 = arith.constant 0 : i32
    %dma_start3A_6 = tpu.memref_slice %arg4[%mul3A_2, %dma_start3A_5] : memref<64x100000xf32, #tpu.memory_space<hbm>> -> memref<1x100000xf32, #tpu.memory_space<hbm>>
    %dma_start3A_7 = tpu.memref_squeeze %dma_start3A_6 : memref<1x100000xf32, #tpu.memory_space<hbm>> -> memref<100000xf32, #tpu.memory_space<hbm>>
    tpu.enqueue_dma source(%dma_start3A_7 : memref<100000xf32, #tpu.memory_space<hbm>>) target(%arg6 : memref<100000xf32, #tpu.memory_space<vmem>>) target_semaphore(%arg10 : memref<!tpu.dma_semaphore, #tpu.memory_space<semaphore_mem>>)
    tpu.wait_dma2 semaphore(%arg11 : memref<!tpu.dma_semaphore, #tpu.memory_space<semaphore_mem>>) src(%arg3 : memref<16384xi32, #tpu.memory_space<hbm>>) dst(%arg7 : memref<16384xi32, #tpu.memory_space<vmem>>)
    %broadcast_in_dim3A = arith.constant 0.000000e+00 : f32
    %broadcast_in_dim3A_8 = vector.broadcast %broadcast_in_dim3A : f32 to vector<16xf32>
    %mul3A_9 = arith.constant 2 : i32
    %mul3A_10 = arith.muli %add3A, %mul3A_9 : i32
    %add3A_11 = arith.constant 0 : i32
    %add3A_12 = arith.addi %mul3A_10, %add3A_11 : i32
    %dma_start3A_13 = arith.constant 0 : i32
    %dma_start3A_14 = arith.constant 0 : i32
    %dma_start3A_15 = tpu.memref_slice %arg8[%dma_start3A_13, %dma_start3A_14] : memref<2x4096xf32, #tpu.memory_space<vmem>> -> memref<1x4096xf32, #tpu.memory_space<vmem>>
    %dma_start3A_16 = tpu.memref_squeeze %dma_start3A_15 : memref<1x4096xf32, #tpu.memory_space<vmem>> -> memref<4096xf32, #tpu.memory_space<vmem>>
    %dma_start3A_17 = arith.constant 0 : i32
    %dma_start3A_18 = tpu.memref_slice %arg2[%add3A_12, %dma_start3A_17] : memref<64x16384xf32, #tpu.memory_space<hbm>> -> memref<1x4096xf32, #tpu.memory_space<hbm>>
    %dma_start3A_19 = tpu.memref_squeeze %dma_start3A_18 : memref<1x4096xf32, #tpu.memory_space<hbm>> -> memref<4096xf32, #tpu.memory_space<hbm>>
    %dma_start3A_20 = arith.constant 0 : i32
    %dma_start3A_21 = tpu.memref_slice %arg8[%dma_start3A_13, %dma_start3A_20] : memref<2x4096xf32, #tpu.memory_space<vmem>> -> memref<1x4096xf32, #tpu.memory_space<vmem>>
    %dma_start3A_22 = tpu.memref_squeeze %dma_start3A_21 : memref<1x4096xf32, #tpu.memory_space<vmem>> -> memref<4096xf32, #tpu.memory_space<vmem>>
    %dma_start3A_23 = arith.constant 0 : i32
    %dma_start3A_24 = tpu.memref_slice %arg2[%add3A_12, %dma_start3A_23] : memref<64x16384xf32, #tpu.memory_space<hbm>> -> memref<1x4096xf32, #tpu.memory_space<hbm>>
    %dma_start3A_25 = tpu.memref_squeeze %dma_start3A_24 : memref<1x4096xf32, #tpu.memory_space<hbm>> -> memref<4096xf32, #tpu.memory_space<hbm>>
    tpu.enqueue_dma source(%dma_start3A_25 : memref<4096xf32, #tpu.memory_space<hbm>>) target(%dma_start3A_22 : memref<4096xf32, #tpu.memory_space<vmem>>) target_semaphore(%arg12 : memref<!tpu.dma_semaphore, #tpu.memory_space<semaphore_mem>>)
    %dma_wait3A = arith.constant 0 : i32
    %dma_wait3A_26 = tpu.memref_slice %arg4[%mul3A_2, %dma_wait3A] : memref<64x100000xf32, #tpu.memory_space<hbm>> -> memref<1x100000xf32, #tpu.memory_space<hbm>>
    %dma_wait3A_27 = tpu.memref_squeeze %dma_wait3A_26 : memref<1x100000xf32, #tpu.memory_space<hbm>> -> memref<100000xf32, #tpu.memory_space<hbm>>
    %dma_wait3A_28 = arith.constant 0 : i32
    %dma_wait3A_29 = tpu.memref_slice %arg4[%mul3A_2, %dma_wait3A_28] : memref<64x100000xf32, #tpu.memory_space<hbm>> -> memref<1x100000xf32, #tpu.memory_space<hbm>>
    %dma_wait3A_30 = tpu.memref_squeeze %dma_wait3A_29 : memref<1x100000xf32, #tpu.memory_space<hbm>> -> memref<100000xf32, #tpu.memory_space<hbm>>
    tpu.wait_dma2 semaphore(%arg10 : memref<!tpu.dma_semaphore, #tpu.memory_space<semaphore_mem>>) src(%dma_wait3A_30 : memref<100000xf32, #tpu.memory_space<hbm>>) dst(%arg6 : memref<100000xf32, #tpu.memory_space<vmem>>)
    %dma_wait3A_31 = arith.constant 0 : i32
    %dma_wait3A_32 = arith.constant 0 : i32
    %dma_wait3A_33 = tpu.memref_slice %arg8[%dma_wait3A_31, %dma_wait3A_32] : memref<2x4096xf32, #tpu.memory_space<vmem>> -> memref<1x4096xf32, #tpu.memory_space<vmem>>
    %dma_wait3A_34 = tpu.memref_squeeze %dma_wait3A_33 : memref<1x4096xf32, #tpu.memory_space<vmem>> -> memref<4096xf32, #tpu.memory_space<vmem>>
    %dma_wait3A_35 = arith.constant 0 : i32
    %dma_wait3A_36 = tpu.memref_slice %arg2[%add3A_12, %dma_wait3A_35] : memref<64x16384xf32, #tpu.memory_space<hbm>> -> memref<1x4096xf32, #tpu.memory_space<hbm>>
    %dma_wait3A_37 = tpu.memref_squeeze %dma_wait3A_36 : memref<1x4096xf32, #tpu.memory_space<hbm>> -> memref<4096xf32, #tpu.memory_space<hbm>>
    %dma_wait3A_38 = arith.constant 0 : i32
    %dma_wait3A_39 = tpu.memref_slice %arg8[%dma_wait3A_31, %dma_wait3A_38] : memref<2x4096xf32, #tpu.memory_space<vmem>> -> memref<1x4096xf32, #tpu.memory_space<vmem>>
    %dma_wait3A_40 = tpu.memref_squeeze %dma_wait3A_39 : memref<1x4096xf32, #tpu.memory_space<vmem>> -> memref<4096xf32, #tpu.memory_space<vmem>>
    %dma_wait3A_41 = arith.constant 0 : i32
    %dma_wait3A_42 = tpu.memref_slice %arg2[%add3A_12, %dma_wait3A_41] : memref<64x16384xf32, #tpu.memory_space<hbm>> -> memref<1x4096xf32, #tpu.memory_space<hbm>>
    %dma_wait3A_43 = tpu.memref_squeeze %dma_wait3A_42 : memref<1x4096xf32, #tpu.memory_space<hbm>> -> memref<4096xf32, #tpu.memory_space<hbm>>
    tpu.wait_dma2 semaphore(%arg12 : memref<!tpu.dma_semaphore, #tpu.memory_space<semaphore_mem>>) src(%dma_wait3A_43 : memref<4096xf32, #tpu.memory_space<hbm>>) dst(%dma_wait3A_40 : memref<4096xf32, #tpu.memory_space<vmem>>)
    %dma_start3A_44 = arith.constant 1 : i32
    %dma_start3A_45 = arith.constant 0 : i32
    %dma_start3A_46 = tpu.memref_slice %arg8[%dma_start3A_44, %dma_start3A_45] : memref<2x4096xf32, #tpu.memory_space<vmem>> -> memref<1x4096xf32, #tpu.memory_space<vmem>>
    %dma_start3A_47 = tpu.memref_squeeze %dma_start3A_46 : memref<1x4096xf32, #tpu.memory_space<vmem>> -> memref<4096xf32, #tpu.memory_space<vmem>>
    %dma_start3A_48 = arith.constant 4096 : i32
    %dma_start3A_49 = tpu.memref_slice %arg2[%add3A_12, %dma_start3A_48] : memref<64x16384xf32, #tpu.memory_space<hbm>> -> memref<1x4096xf32, #tpu.memory_space<hbm>>
    %dma_start3A_50 = tpu.memref_squeeze %dma_start3A_49 : memref<1x4096xf32, #tpu.memory_space<hbm>> -> memref<4096xf32, #tpu.memory_space<hbm>>
    %dma_start3A_51 = arith.constant 0 : i32
    %dma_start3A_52 = tpu.memref_slice %arg8[%dma_start3A_44, %dma_start3A_51] : memref<2x4096xf32, #tpu.memory_space<vmem>> -> memref<1x4096xf32, #tpu.memory_space<vmem>>
    %dma_start3A_53 = tpu.memref_squeeze %dma_start3A_52 : memref<1x4096xf32, #tpu.memory_space<vmem>> -> memref<4096xf32, #tpu.memory_space<vmem>>
    %dma_start3A_54 = arith.constant 4096 : i32
    %dma_start3A_55 = tpu.memref_slice %arg2[%add3A_12, %dma_start3A_54] : memref<64x16384xf32, #tpu.memory_space<hbm>> -> memref<1x4096xf32, #tpu.memory_space<hbm>>
    %dma_start3A_56 = tpu.memref_squeeze %dma_start3A_55 : memref<1x4096xf32, #tpu.memory_space<hbm>> -> memref<4096xf32, #tpu.memory_space<hbm>>
    tpu.enqueue_dma source(%dma_start3A_56 : memref<4096xf32, #tpu.memory_space<hbm>>) target(%dma_start3A_53 : memref<4096xf32, #tpu.memory_space<vmem>>) target_semaphore(%arg13 : memref<!tpu.dma_semaphore, #tpu.memory_space<semaphore_mem>>)
    %scan3A = arith.constant 0 : i32
    %scan3A_57 = arith.constant 64 : i32
    %scan3A_58 = arith.addi %scan3A, %scan3A_57 : i32
    %scan3A_59 = arith.constant 1 : i32
    %scan3A_60:4 = scf.for %scan3A_295 = %scan3A to %scan3A_58 step %scan3A_59 iter_args(%scan3A_296 = %broadcast_in_dim3A_8, %scan3A_297 = %broadcast_in_dim3A_8, %scan3A_298 = %broadcast_in_dim3A_8, %scan3A_299 = %broadcast_in_dim3A_8) -> (vector<16xf32>, vector<16xf32>, vector<16xf32>, vector<16xf32>)  : i32 {
      %mul3A_300 = arith.constant 64 : i32
      %mul3A_301 = arith.muli %scan3A_295, %mul3A_300 : i32
      %add3A_302 = arith.constant 0 : i32
      %add3A_303 = arith.addi %mul3A_301, %add3A_302 : i32
      %add3A_304 = arith.constant 0 : i32
      %add3A_305 = arith.addi %add3A_304, %add3A_303 : i32
      %get3A = arith.index_cast %add3A_305 : i32 to index
      %get3A_306 = tpu.vector_load %arg7[%get3A] {strides = array<i32>} : memref<16384xi32, #tpu.memory_space<vmem>>, vector<16xi32>,
      %get3A_307 = arith.constant 0 : i32
      %get3A_308 = arith.index_cast %get3A_307 : i32 to index
      %get3A_309 = arith.index_cast %add3A_303 : i32 to index
      %get3A_310 = tpu.vector_load %arg8[%get3A_308, %get3A_309] {strides = array<i32>} : memref<2x4096xf32, #tpu.memory_space<vmem>>, vector<16xf32>,
      %gather3A = tpu.vector_load_idx %arg6[%get3A_306] : memref<100000xf32, #tpu.memory_space<vmem>>[vector<16xi32>], vector<16xf32>,
      %sub3A = arith.subf %get3A_310, %gather3A : vector<16xf32>
      %mul3A_311 = arith.mulf %sub3A, %sub3A : vector<16xf32>
      %add3A_312 = arith.addf %scan3A_296, %mul3A_311 : vector<16xf32>
      %mul3A_313 = arith.constant 64 : i32
      %mul3A_314 = arith.muli %scan3A_295, %mul3A_313 : i32
      %add3A_315 = arith.constant 16 : i32
      %add3A_316 = arith.addi %mul3A_314, %add3A_315 : i32
      %add3A_317 = arith.constant 0 : i32
      %add3A_318 = arith.addi %add3A_317, %add3A_316 : i32
      %get3A_319 = arith.index_cast %add3A_318 : i32 to index
      %get3A_320 = tpu.vector_load %arg7[%get3A_319] {strides = array<i32>} : memref<16384xi32, #tpu.memory_space<vmem>>, vector<16xi32>,
      %get3A_321 = arith.constant 0 : i32
      %get3A_322 = arith.index_cast %get3A_321 : i32 to index
      %get3A_323 = arith.index_cast %add3A_316 : i32 to index
      %get3A_324 = tpu.vector_load %arg8[%get3A_322, %get3A_323] {strides = array<i32>} : memref<2x4096xf32, #tpu.memory_space<vmem>>, vector<16xf32>,
      %gather3A_325 = tpu.vector_load_idx %arg6[%get3A_320] : memref<100000xf32, #tpu.memory_space<vmem>>[vector<16xi32>], vector<16xf32>,
      %sub3A_326 = arith.subf %get3A_324, %gather3A_325 : vector<16xf32>
      %mul3A_327 = arith.mulf %sub3A_326, %sub3A_326 : vector<16xf32>
      %add3A_328 = arith.addf %scan3A_297, %mul3A_327 : vector<16xf32>
      %mul3A_329 = arith.constant 64 : i32
      %mul3A_330 = arith.muli %scan3A_295, %mul3A_329 : i32
      %add3A_331 = arith.constant 32 : i32
      %add3A_332 = arith.addi %mul3A_330, %add3A_331 : i32
      %add3A_333 = arith.constant 0 : i32
      %add3A_334 = arith.addi %add3A_333, %add3A_332 : i32
      %get3A_335 = arith.index_cast %add3A_334 : i32 to index
      %get3A_336 = tpu.vector_load %arg7[%get3A_335] {strides = array<i32>} : memref<16384xi32, #tpu.memory_space<vmem>>, vector<16xi32>,
      %get3A_337 = arith.constant 0 : i32
      %get3A_338 = arith.index_cast %get3A_337 : i32 to index
      %get3A_339 = arith.index_cast %add3A_332 : i32 to index
      %get3A_340 = tpu.vector_load %arg8[%get3A_338, %get3A_339] {strides = array<i32>} : memref<2x4096xf32, #tpu.memory_space<vmem>>, vector<16xf32>,
      %gather3A_341 = tpu.vector_load_idx %arg6[%get3A_336] : memref<100000xf32, #tpu.memory_space<vmem>>[vector<16xi32>], vector<16xf32>,
      %sub3A_342 = arith.subf %get3A_340, %gather3A_341 : vector<16xf32>
      %mul3A_343 = arith.mulf %sub3A_342, %sub3A_342 : vector<16xf32>
      %add3A_344 = arith.addf %scan3A_298, %mul3A_343 : vector<16xf32>
      %mul3A_345 = arith.constant 64 : i32
      %mul3A_346 = arith.muli %scan3A_295, %mul3A_345 : i32
      %add3A_347 = arith.constant 48 : i32
      %add3A_348 = arith.addi %mul3A_346, %add3A_347 : i32
      %add3A_349 = arith.constant 0 : i32
      %add3A_350 = arith.addi %add3A_349, %add3A_348 : i32
      %get3A_351 = arith.index_cast %add3A_350 : i32 to index
      %get3A_352 = tpu.vector_load %arg7[%get3A_351] {strides = array<i32>} : memref<16384xi32, #tpu.memory_space<vmem>>, vector<16xi32>,
      %get3A_353 = arith.constant 0 : i32
      %get3A_354 = arith.index_cast %get3A_353 : i32 to index
      %get3A_355 = arith.index_cast %add3A_348 : i32 to index
      %get3A_356 = tpu.vector_load %arg8[%get3A_354, %get3A_355] {strides = array<i32>} : memref<2x4096xf32, #tpu.memory_space<vmem>>, vector<16xf32>,
      %gather3A_357 = tpu.vector_load_idx %arg6[%get3A_352] : memref<100000xf32, #tpu.memory_space<vmem>>[vector<16xi32>], vector<16xf32>,
      %sub3A_358 = arith.subf %get3A_356, %gather3A_357 : vector<16xf32>
      %mul3A_359 = arith.mulf %sub3A_358, %sub3A_358 : vector<16xf32>
      %add3A_360 = arith.addf %scan3A_299, %mul3A_359 : vector<16xf32>
      scf.yield %add3A_312, %add3A_328, %add3A_344, %add3A_360 : vector<16xf32>, vector<16xf32>, vector<16xf32>, vector<16xf32>
    }
    %scan3A_61 = arith.constant 64 : i32
    %dma_wait3A_62 = arith.constant 1 : i32
    %dma_wait3A_63 = arith.constant 0 : i32
    %dma_wait3A_64 = tpu.memref_slice %arg8[%dma_wait3A_62, %dma_wait3A_63] : memref<2x4096xf32, #tpu.memory_space<vmem>> -> memref<1x4096xf32, #tpu.memory_space<vmem>>
    %dma_wait3A_65 = tpu.memref_squeeze %dma_wait3A_64 : memref<1x4096xf32, #tpu.memory_space<vmem>> -> memref<4096xf32, #tpu.memory_space<vmem>>
    %dma_wait3A_66 = arith.constant 4096 : i32
    %dma_wait3A_67 = tpu.memref_slice %arg2[%add3A_12, %dma_wait3A_66] : memref<64x16384xf32, #tpu.memory_space<hbm>> -> memref<1x4096xf32, #tpu.memory_space<hbm>>
    %dma_wait3A_68 = tpu.memref_squeeze %dma_wait3A_67 : memref<1x4096xf32, #tpu.memory_space<hbm>> -> memref<4096xf32, #tpu.memory_space<hbm>>
    %dma_wait3A_69 = arith.constant 0 : i32
    %dma_wait3A_70 = tpu.memref_slice %arg8[%dma_wait3A_62, %dma_wait3A_69] : memref<2x4096xf32, #tpu.memory_space<vmem>> -> memref<1x4096xf32, #tpu.memory_space<vmem>>
    %dma_wait3A_71 = tpu.memref_squeeze %dma_wait3A_70 : memref<1x4096xf32, #tpu.memory_space<vmem>> -> memref<4096xf32, #tpu.memory_space<vmem>>
    %dma_wait3A_72 = arith.constant 4096 : i32
    %dma_wait3A_73 = tpu.memref_slice %arg2[%add3A_12, %dma_wait3A_72] : memref<64x16384xf32, #tpu.memory_space<hbm>> -> memref<1x4096xf32, #tpu.memory_space<hbm>>
    %dma_wait3A_74 = tpu.memref_squeeze %dma_wait3A_73 : memref<1x4096xf32, #tpu.memory_space<hbm>> -> memref<4096xf32, #tpu.memory_space<hbm>>
    tpu.wait_dma2 semaphore(%arg13 : memref<!tpu.dma_semaphore, #tpu.memory_space<semaphore_mem>>) src(%dma_wait3A_74 : memref<4096xf32, #tpu.memory_space<hbm>>) dst(%dma_wait3A_71 : memref<4096xf32, #tpu.memory_space<vmem>>)
    %dma_start3A_75 = arith.constant 0 : i32
    %dma_start3A_76 = arith.constant 0 : i32
    %dma_start3A_77 = tpu.memref_slice %arg8[%dma_start3A_75, %dma_start3A_76] : memref<2x4096xf32, #tpu.memory_space<vmem>> -> memref<1x4096xf32, #tpu.memory_space<vmem>>
    %dma_start3A_78 = tpu.memref_squeeze %dma_start3A_77 : memref<1x4096xf32, #tpu.memory_space<vmem>> -> memref<4096xf32, #tpu.memory_space<vmem>>
    %dma_start3A_79 = arith.constant 8192 : i32
    %dma_start3A_80 = tpu.memref_slice %arg2[%add3A_12, %dma_start3A_79] : memref<64x16384xf32, #tpu.memory_space<hbm>> -> memref<1x4096xf32, #tpu.memory_space<hbm>>
    %dma_start3A_81 = tpu.memref_squeeze %dma_start3A_80 : memref<1x4096xf32, #tpu.memory_space<hbm>> -> memref<4096xf32, #tpu.memory_space<hbm>>
    %dma_start3A_82 = arith.constant 0 : i32
    %dma_start3A_83 = tpu.memref_slice %arg8[%dma_start3A_75, %dma_start3A_82] : memref<2x4096xf32, #tpu.memory_space<vmem>> -> memref<1x4096xf32, #tpu.memory_space<vmem>>
    %dma_start3A_84 = tpu.memref_squeeze %dma_start3A_83 : memref<1x4096xf32, #tpu.memory_space<vmem>> -> memref<4096xf32, #tpu.memory_space<vmem>>
    %dma_start3A_85 = arith.constant 8192 : i32
    %dma_start3A_86 = tpu.memref_slice %arg2[%add3A_12, %dma_start3A_85] : memref<64x16384xf32, #tpu.memory_space<hbm>> -> memref<1x4096xf32, #tpu.memory_space<hbm>>
    %dma_start3A_87 = tpu.memref_squeeze %dma_start3A_86 : memref<1x4096xf32, #tpu.memory_space<hbm>> -> memref<4096xf32, #tpu.memory_space<hbm>>
    tpu.enqueue_dma source(%dma_start3A_87 : memref<4096xf32, #tpu.memory_space<hbm>>) target(%dma_start3A_84 : memref<4096xf32, #tpu.memory_space<vmem>>) target_semaphore(%arg12 : memref<!tpu.dma_semaphore, #tpu.memory_space<semaphore_mem>>)
    %scan3A_88 = arith.constant 0 : i32
    %scan3A_89 = arith.constant 64 : i32
    %scan3A_90 = arith.addi %scan3A_88, %scan3A_89 : i32
    %scan3A_91 = arith.constant 1 : i32
    %scan3A_92:4 = scf.for %scan3A_295 = %scan3A_88 to %scan3A_90 step %scan3A_91 iter_args(%scan3A_296 = %scan3A_60#0, %scan3A_297 = %scan3A_60#1, %scan3A_298 = %scan3A_60#2, %scan3A_299 = %scan3A_60#3) -> (vector<16xf32>, vector<16xf32>, vector<16xf32>, vector<16xf32>)  : i32 {
      %mul3A_300 = arith.constant 64 : i32
      %mul3A_301 = arith.muli %scan3A_295, %mul3A_300 : i32
      %add3A_302 = arith.constant 0 : i32
      %add3A_303 = arith.addi %mul3A_301, %add3A_302 : i32
      %add3A_304 = arith.constant 4096 : i32
      %add3A_305 = arith.addi %add3A_304, %add3A_303 : i32
      %get3A = arith.index_cast %add3A_305 : i32 to index
      %get3A_306 = tpu.vector_load %arg7[%get3A] {strides = array<i32>} : memref<16384xi32, #tpu.memory_space<vmem>>, vector<16xi32>,
      %get3A_307 = arith.constant 1 : i32
      %get3A_308 = arith.index_cast %get3A_307 : i32 to index
      %get3A_309 = arith.index_cast %add3A_303 : i32 to index
      %get3A_310 = tpu.vector_load %arg8[%get3A_308, %get3A_309] {strides = array<i32>} : memref<2x4096xf32, #tpu.memory_space<vmem>>, vector<16xf32>,
      %gather3A = tpu.vector_load_idx %arg6[%get3A_306] : memref<100000xf32, #tpu.memory_space<vmem>>[vector<16xi32>], vector<16xf32>,
      %sub3A = arith.subf %get3A_310, %gather3A : vector<16xf32>
      %mul3A_311 = arith.mulf %sub3A, %sub3A : vector<16xf32>
      %add3A_312 = arith.addf %scan3A_296, %mul3A_311 : vector<16xf32>
      %mul3A_313 = arith.constant 64 : i32
      %mul3A_314 = arith.muli %scan3A_295, %mul3A_313 : i32
      %add3A_315 = arith.constant 16 : i32
      %add3A_316 = arith.addi %mul3A_314, %add3A_315 : i32
      %add3A_317 = arith.constant 4096 : i32
      %add3A_318 = arith.addi %add3A_317, %add3A_316 : i32
      %get3A_319 = arith.index_cast %add3A_318 : i32 to index
      %get3A_320 = tpu.vector_load %arg7[%get3A_319] {strides = array<i32>} : memref<16384xi32, #tpu.memory_space<vmem>>, vector<16xi32>,
      %get3A_321 = arith.constant 1 : i32
      %get3A_322 = arith.index_cast %get3A_321 : i32 to index
      %get3A_323 = arith.index_cast %add3A_316 : i32 to index
      %get3A_324 = tpu.vector_load %arg8[%get3A_322, %get3A_323] {strides = array<i32>} : memref<2x4096xf32, #tpu.memory_space<vmem>>, vector<16xf32>,
      %gather3A_325 = tpu.vector_load_idx %arg6[%get3A_320] : memref<100000xf32, #tpu.memory_space<vmem>>[vector<16xi32>], vector<16xf32>,
      %sub3A_326 = arith.subf %get3A_324, %gather3A_325 : vector<16xf32>
      %mul3A_327 = arith.mulf %sub3A_326, %sub3A_326 : vector<16xf32>
      %add3A_328 = arith.addf %scan3A_297, %mul3A_327 : vector<16xf32>
      %mul3A_329 = arith.constant 64 : i32
      %mul3A_330 = arith.muli %scan3A_295, %mul3A_329 : i32
      %add3A_331 = arith.constant 32 : i32
      %add3A_332 = arith.addi %mul3A_330, %add3A_331 : i32
      %add3A_333 = arith.constant 4096 : i32
      %add3A_334 = arith.addi %add3A_333, %add3A_332 : i32
      %get3A_335 = arith.index_cast %add3A_334 : i32 to index
      %get3A_336 = tpu.vector_load %arg7[%get3A_335] {strides = array<i32>} : memref<16384xi32, #tpu.memory_space<vmem>>, vector<16xi32>,
      %get3A_337 = arith.constant 1 : i32
      %get3A_338 = arith.index_cast %get3A_337 : i32 to index
      %get3A_339 = arith.index_cast %add3A_332 : i32 to index
      %get3A_340 = tpu.vector_load %arg8[%get3A_338, %get3A_339] {strides = array<i32>} : memref<2x4096xf32, #tpu.memory_space<vmem>>, vector<16xf32>,
      %gather3A_341 = tpu.vector_load_idx %arg6[%get3A_336] : memref<100000xf32, #tpu.memory_space<vmem>>[vector<16xi32>], vector<16xf32>,
      %sub3A_342 = arith.subf %get3A_340, %gather3A_341 : vector<16xf32>
      %mul3A_343 = arith.mulf %sub3A_342, %sub3A_342 : vector<16xf32>
      %add3A_344 = arith.addf %scan3A_298, %mul3A_343 : vector<16xf32>
      %mul3A_345 = arith.constant 64 : i32
      %mul3A_346 = arith.muli %scan3A_295, %mul3A_345 : i32
      %add3A_347 = arith.constant 48 : i32
      %add3A_348 = arith.addi %mul3A_346, %add3A_347 : i32
      %add3A_349 = arith.constant 4096 : i32
      %add3A_350 = arith.addi %add3A_349, %add3A_348 : i32
      %get3A_351 = arith.index_cast %add3A_350 : i32 to index
      %get3A_352 = tpu.vector_load %arg7[%get3A_351] {strides = array<i32>} : memref<16384xi32, #tpu.memory_space<vmem>>, vector<16xi32>,
      %get3A_353 = arith.constant 1 : i32
      %get3A_354 = arith.index_cast %get3A_353 : i32 to index
      %get3A_355 = arith.index_cast %add3A_348 : i32 to index
      %get3A_356 = tpu.vector_load %arg8[%get3A_354, %get3A_355] {strides = array<i32>} : memref<2x4096xf32, #tpu.memory_space<vmem>>, vector<16xf32>,
      %gather3A_357 = tpu.vector_load_idx %arg6[%get3A_352] : memref<100000xf32, #tpu.memory_space<vmem>>[vector<16xi32>], vector<16xf32>,
      %sub3A_358 = arith.subf %get3A_356, %gather3A_357 : vector<16xf32>
      %mul3A_359 = arith.mulf %sub3A_358, %sub3A_358 : vector<16xf32>
      %add3A_360 = arith.addf %scan3A_299, %mul3A_359 : vector<16xf32>
      scf.yield %add3A_312, %add3A_328, %add3A_344, %add3A_360 : vector<16xf32>, vector<16xf32>, vector<16xf32>, vector<16xf32>
    }
    %scan3A_93 = arith.constant 64 : i32
    %dma_wait3A_94 = arith.constant 0 : i32
    %dma_wait3A_95 = arith.constant 0 : i32
    %dma_wait3A_96 = tpu.memref_slice %arg8[%dma_wait3A_94, %dma_wait3A_95] : memref<2x4096xf32, #tpu.memory_space<vmem>> -> memref<1x4096xf32, #tpu.memory_space<vmem>>
    %dma_wait3A_97 = tpu.memref_squeeze %dma_wait3A_96 : memref<1x4096xf32, #tpu.memory_space<vmem>> -> memref<4096xf32, #tpu.memory_space<vmem>>
    %dma_wait3A_98 = arith.constant 8192 : i32
    %dma_wait3A_99 = tpu.memref_slice %arg2[%add3A_12, %dma_wait3A_98] : memref<64x16384xf32, #tpu.memory_space<hbm>> -> memref<1x4096xf32, #tpu.memory_space<hbm>>
    %dma_wait3A_100 = tpu.memref_squeeze %dma_wait3A_99 : memref<1x4096xf32, #tpu.memory_space<hbm>> -> memref<4096xf32, #tpu.memory_space<hbm>>
    %dma_wait3A_101 = arith.constant 0 : i32
    %dma_wait3A_102 = tpu.memref_slice %arg8[%dma_wait3A_94, %dma_wait3A_101] : memref<2x4096xf32, #tpu.memory_space<vmem>> -> memref<1x4096xf32, #tpu.memory_space<vmem>>
    %dma_wait3A_103 = tpu.memref_squeeze %dma_wait3A_102 : memref<1x4096xf32, #tpu.memory_space<vmem>> -> memref<4096xf32, #tpu.memory_space<vmem>>
    %dma_wait3A_104 = arith.constant 8192 : i32
    %dma_wait3A_105 = tpu.memref_slice %arg2[%add3A_12, %dma_wait3A_104] : memref<64x16384xf32, #tpu.memory_space<hbm>> -> memref<1x4096xf32, #tpu.memory_space<hbm>>
    %dma_wait3A_106 = tpu.memref_squeeze %dma_wait3A_105 : memref<1x4096xf32, #tpu.memory_space<hbm>> -> memref<4096xf32, #tpu.memory_space<hbm>>
    tpu.wait_dma2 semaphore(%arg12 : memref<!tpu.dma_semaphore, #tpu.memory_space<semaphore_mem>>) src(%dma_wait3A_106 : memref<4096xf32, #tpu.memory_space<hbm>>) dst(%dma_wait3A_103 : memref<4096xf32, #tpu.memory_space<vmem>>)
    %dma_start3A_107 = arith.constant 1 : i32
    %dma_start3A_108 = arith.constant 0 : i32
    %dma_start3A_109 = tpu.memref_slice %arg8[%dma_start3A_107, %dma_start3A_108] : memref<2x4096xf32, #tpu.memory_space<vmem>> -> memref<1x4096xf32, #tpu.memory_space<vmem>>
    %dma_start3A_110 = tpu.memref_squeeze %dma_start3A_109 : memref<1x4096xf32, #tpu.memory_space<vmem>> -> memref<4096xf32, #tpu.memory_space<vmem>>
    %dma_start3A_111 = arith.constant 12288 : i32
    %dma_start3A_112 = tpu.memref_slice %arg2[%add3A_12, %dma_start3A_111] : memref<64x16384xf32, #tpu.memory_space<hbm>> -> memref<1x4096xf32, #tpu.memory_space<hbm>>
    %dma_start3A_113 = tpu.memref_squeeze %dma_start3A_112 : memref<1x4096xf32, #tpu.memory_space<hbm>> -> memref<4096xf32, #tpu.memory_space<hbm>>
    %dma_start3A_114 = arith.constant 0 : i32
    %dma_start3A_115 = tpu.memref_slice %arg8[%dma_start3A_107, %dma_start3A_114] : memref<2x4096xf32, #tpu.memory_space<vmem>> -> memref<1x4096xf32, #tpu.memory_space<vmem>>
    %dma_start3A_116 = tpu.memref_squeeze %dma_start3A_115 : memref<1x4096xf32, #tpu.memory_space<vmem>> -> memref<4096xf32, #tpu.memory_space<vmem>>
    %dma_start3A_117 = arith.constant 12288 : i32
    %dma_start3A_118 = tpu.memref_slice %arg2[%add3A_12, %dma_start3A_117] : memref<64x16384xf32, #tpu.memory_space<hbm>> -> memref<1x4096xf32, #tpu.memory_space<hbm>>
    %dma_start3A_119 = tpu.memref_squeeze %dma_start3A_118 : memref<1x4096xf32, #tpu.memory_space<hbm>> -> memref<4096xf32, #tpu.memory_space<hbm>>
    tpu.enqueue_dma source(%dma_start3A_119 : memref<4096xf32, #tpu.memory_space<hbm>>) target(%dma_start3A_116 : memref<4096xf32, #tpu.memory_space<vmem>>) target_semaphore(%arg13 : memref<!tpu.dma_semaphore, #tpu.memory_space<semaphore_mem>>)
    %scan3A_120 = arith.constant 0 : i32
    %scan3A_121 = arith.constant 64 : i32
    %scan3A_122 = arith.addi %scan3A_120, %scan3A_121 : i32
    %scan3A_123 = arith.constant 1 : i32
    %scan3A_124:4 = scf.for %scan3A_295 = %scan3A_120 to %scan3A_122 step %scan3A_123 iter_args(%scan3A_296 = %scan3A_92#0, %scan3A_297 = %scan3A_92#1, %scan3A_298 = %scan3A_92#2, %scan3A_299 = %scan3A_92#3) -> (vector<16xf32>, vector<16xf32>, vector<16xf32>, vector<16xf32>)  : i32 {
      %mul3A_300 = arith.constant 64 : i32
      %mul3A_301 = arith.muli %scan3A_295, %mul3A_300 : i32
      %add3A_302 = arith.constant 0 : i32
      %add3A_303 = arith.addi %mul3A_301, %add3A_302 : i32
      %add3A_304 = arith.constant 8192 : i32
      %add3A_305 = arith.addi %add3A_304, %add3A_303 : i32
      %get3A = arith.index_cast %add3A_305 : i32 to index
      %get3A_306 = tpu.vector_load %arg7[%get3A] {strides = array<i32>} : memref<16384xi32, #tpu.memory_space<vmem>>, vector<16xi32>,
      %get3A_307 = arith.constant 0 : i32
      %get3A_308 = arith.index_cast %get3A_307 : i32 to index
      %get3A_309 = arith.index_cast %add3A_303 : i32 to index
      %get3A_310 = tpu.vector_load %arg8[%get3A_308, %get3A_309] {strides = array<i32>} : memref<2x4096xf32, #tpu.memory_space<vmem>>, vector<16xf32>,
      %gather3A = tpu.vector_load_idx %arg6[%get3A_306] : memref<100000xf32, #tpu.memory_space<vmem>>[vector<16xi32>], vector<16xf32>,
      %sub3A = arith.subf %get3A_310, %gather3A : vector<16xf32>
      %mul3A_311 = arith.mulf %sub3A, %sub3A : vector<16xf32>
      %add3A_312 = arith.addf %scan3A_296, %mul3A_311 : vector<16xf32>
      %mul3A_313 = arith.constant 64 : i32
      %mul3A_314 = arith.muli %scan3A_295, %mul3A_313 : i32
      %add3A_315 = arith.constant 16 : i32
      %add3A_316 = arith.addi %mul3A_314, %add3A_315 : i32
      %add3A_317 = arith.constant 8192 : i32
      %add3A_318 = arith.addi %add3A_317, %add3A_316 : i32
      %get3A_319 = arith.index_cast %add3A_318 : i32 to index
      %get3A_320 = tpu.vector_load %arg7[%get3A_319] {strides = array<i32>} : memref<16384xi32, #tpu.memory_space<vmem>>, vector<16xi32>,
      %get3A_321 = arith.constant 0 : i32
      %get3A_322 = arith.index_cast %get3A_321 : i32 to index
      %get3A_323 = arith.index_cast %add3A_316 : i32 to index
      %get3A_324 = tpu.vector_load %arg8[%get3A_322, %get3A_323] {strides = array<i32>} : memref<2x4096xf32, #tpu.memory_space<vmem>>, vector<16xf32>,
      %gather3A_325 = tpu.vector_load_idx %arg6[%get3A_320] : memref<100000xf32, #tpu.memory_space<vmem>>[vector<16xi32>], vector<16xf32>,
      %sub3A_326 = arith.subf %get3A_324, %gather3A_325 : vector<16xf32>
      %mul3A_327 = arith.mulf %sub3A_326, %sub3A_326 : vector<16xf32>
      %add3A_328 = arith.addf %scan3A_297, %mul3A_327 : vector<16xf32>
      %mul3A_329 = arith.constant 64 : i32
      %mul3A_330 = arith.muli %scan3A_295, %mul3A_329 : i32
      %add3A_331 = arith.constant 32 : i32
      %add3A_332 = arith.addi %mul3A_330, %add3A_331 : i32
      %add3A_333 = arith.constant 8192 : i32
      %add3A_334 = arith.addi %add3A_333, %add3A_332 : i32
      %get3A_335 = arith.index_cast %add3A_334 : i32 to index
      %get3A_336 = tpu.vector_load %arg7[%get3A_335] {strides = array<i32>} : memref<16384xi32, #tpu.memory_space<vmem>>, vector<16xi32>,
      %get3A_337 = arith.constant 0 : i32
      %get3A_338 = arith.index_cast %get3A_337 : i32 to index
      %get3A_339 = arith.index_cast %add3A_332 : i32 to index
      %get3A_340 = tpu.vector_load %arg8[%get3A_338, %get3A_339] {strides = array<i32>} : memref<2x4096xf32, #tpu.memory_space<vmem>>, vector<16xf32>,
      %gather3A_341 = tpu.vector_load_idx %arg6[%get3A_336] : memref<100000xf32, #tpu.memory_space<vmem>>[vector<16xi32>], vector<16xf32>,
      %sub3A_342 = arith.subf %get3A_340, %gather3A_341 : vector<16xf32>
      %mul3A_343 = arith.mulf %sub3A_342, %sub3A_342 : vector<16xf32>
      %add3A_344 = arith.addf %scan3A_298, %mul3A_343 : vector<16xf32>
      %mul3A_345 = arith.constant 64 : i32
      %mul3A_346 = arith.muli %scan3A_295, %mul3A_345 : i32
      %add3A_347 = arith.constant 48 : i32
      %add3A_348 = arith.addi %mul3A_346, %add3A_347 : i32
      %add3A_349 = arith.constant 8192 : i32
      %add3A_350 = arith.addi %add3A_349, %add3A_348 : i32
      %get3A_351 = arith.index_cast %add3A_350 : i32 to index
      %get3A_352 = tpu.vector_load %arg7[%get3A_351] {strides = array<i32>} : memref<16384xi32, #tpu.memory_space<vmem>>, vector<16xi32>,
      %get3A_353 = arith.constant 0 : i32
      %get3A_354 = arith.index_cast %get3A_353 : i32 to index
      %get3A_355 = arith.index_cast %add3A_348 : i32 to index
      %get3A_356 = tpu.vector_load %arg8[%get3A_354, %get3A_355] {strides = array<i32>} : memref<2x4096xf32, #tpu.memory_space<vmem>>, vector<16xf32>,
      %gather3A_357 = tpu.vector_load_idx %arg6[%get3A_352] : memref<100000xf32, #tpu.memory_space<vmem>>[vector<16xi32>], vector<16xf32>,
      %sub3A_358 = arith.subf %get3A_356, %gather3A_357 : vector<16xf32>
      %mul3A_359 = arith.mulf %sub3A_358, %sub3A_358 : vector<16xf32>
      %add3A_360 = arith.addf %scan3A_299, %mul3A_359 : vector<16xf32>
      scf.yield %add3A_312, %add3A_328, %add3A_344, %add3A_360 : vector<16xf32>, vector<16xf32>, vector<16xf32>, vector<16xf32>
    }
    %scan3A_125 = arith.constant 64 : i32
    %dma_wait3A_126 = arith.constant 1 : i32
    %dma_wait3A_127 = arith.constant 0 : i32
    %dma_wait3A_128 = tpu.memref_slice %arg8[%dma_wait3A_126, %dma_wait3A_127] : memref<2x4096xf32, #tpu.memory_space<vmem>> -> memref<1x4096xf32, #tpu.memory_space<vmem>>
    %dma_wait3A_129 = tpu.memref_squeeze %dma_wait3A_128 : memref<1x4096xf32, #tpu.memory_space<vmem>> -> memref<4096xf32, #tpu.memory_space<vmem>>
    %dma_wait3A_130 = arith.constant 12288 : i32
    %dma_wait3A_131 = tpu.memref_slice %arg2[%add3A_12, %dma_wait3A_130] : memref<64x16384xf32, #tpu.memory_space<hbm>> -> memref<1x4096xf32, #tpu.memory_space<hbm>>
    %dma_wait3A_132 = tpu.memref_squeeze %dma_wait3A_131 : memref<1x4096xf32, #tpu.memory_space<hbm>> -> memref<4096xf32, #tpu.memory_space<hbm>>
    %dma_wait3A_133 = arith.constant 0 : i32
    %dma_wait3A_134 = tpu.memref_slice %arg8[%dma_wait3A_126, %dma_wait3A_133] : memref<2x4096xf32, #tpu.memory_space<vmem>> -> memref<1x4096xf32, #tpu.memory_space<vmem>>
    %dma_wait3A_135 = tpu.memref_squeeze %dma_wait3A_134 : memref<1x4096xf32, #tpu.memory_space<vmem>> -> memref<4096xf32, #tpu.memory_space<vmem>>
    %dma_wait3A_136 = arith.constant 12288 : i32
    %dma_wait3A_137 = tpu.memref_slice %arg2[%add3A_12, %dma_wait3A_136] : memref<64x16384xf32, #tpu.memory_space<hbm>> -> memref<1x4096xf32, #tpu.memory_space<hbm>>
    %dma_wait3A_138 = tpu.memref_squeeze %dma_wait3A_137 : memref<1x4096xf32, #tpu.memory_space<hbm>> -> memref<4096xf32, #tpu.memory_space<hbm>>
    tpu.wait_dma2 semaphore(%arg13 : memref<!tpu.dma_semaphore, #tpu.memory_space<semaphore_mem>>) src(%dma_wait3A_138 : memref<4096xf32, #tpu.memory_space<hbm>>) dst(%dma_wait3A_135 : memref<4096xf32, #tpu.memory_space<vmem>>)
    %scan3A_139 = arith.constant 0 : i32
    %scan3A_140 = arith.constant 64 : i32
    %scan3A_141 = arith.addi %scan3A_139, %scan3A_140 : i32
    %scan3A_142 = arith.constant 1 : i32
    %scan3A_143:4 = scf.for %scan3A_295 = %scan3A_139 to %scan3A_141 step %scan3A_142 iter_args(%scan3A_296 = %scan3A_124#0, %scan3A_297 = %scan3A_124#1, %scan3A_298 = %scan3A_124#2, %scan3A_299 = %scan3A_124#3) -> (vector<16xf32>, vector<16xf32>, vector<16xf32>, vector<16xf32>)  : i32 {
      %mul3A_300 = arith.constant 64 : i32
      %mul3A_301 = arith.muli %scan3A_295, %mul3A_300 : i32
      %add3A_302 = arith.constant 0 : i32
      %add3A_303 = arith.addi %mul3A_301, %add3A_302 : i32
      %add3A_304 = arith.constant 12288 : i32
      %add3A_305 = arith.addi %add3A_304, %add3A_303 : i32
      %get3A = arith.index_cast %add3A_305 : i32 to index
      %get3A_306 = tpu.vector_load %arg7[%get3A] {strides = array<i32>} : memref<16384xi32, #tpu.memory_space<vmem>>, vector<16xi32>,
      %get3A_307 = arith.constant 1 : i32
      %get3A_308 = arith.index_cast %get3A_307 : i32 to index
      %get3A_309 = arith.index_cast %add3A_303 : i32 to index
      %get3A_310 = tpu.vector_load %arg8[%get3A_308, %get3A_309] {strides = array<i32>} : memref<2x4096xf32, #tpu.memory_space<vmem>>, vector<16xf32>,
      %gather3A = tpu.vector_load_idx %arg6[%get3A_306] : memref<100000xf32, #tpu.memory_space<vmem>>[vector<16xi32>], vector<16xf32>,
      %sub3A = arith.subf %get3A_310, %gather3A : vector<16xf32>
      %mul3A_311 = arith.mulf %sub3A, %sub3A : vector<16xf32>
      %add3A_312 = arith.addf %scan3A_296, %mul3A_311 : vector<16xf32>
      %mul3A_313 = arith.constant 64 : i32
      %mul3A_314 = arith.muli %scan3A_295, %mul3A_313 : i32
      %add3A_315 = arith.constant 16 : i32
      %add3A_316 = arith.addi %mul3A_314, %add3A_315 : i32
      %add3A_317 = arith.constant 12288 : i32
      %add3A_318 = arith.addi %add3A_317, %add3A_316 : i32
      %get3A_319 = arith.index_cast %add3A_318 : i32 to index
      %get3A_320 = tpu.vector_load %arg7[%get3A_319] {strides = array<i32>} : memref<16384xi32, #tpu.memory_space<vmem>>, vector<16xi32>,
      %get3A_321 = arith.constant 1 : i32
      %get3A_322 = arith.index_cast %get3A_321 : i32 to index
      %get3A_323 = arith.index_cast %add3A_316 : i32 to index
      %get3A_324 = tpu.vector_load %arg8[%get3A_322, %get3A_323] {strides = array<i32>} : memref<2x4096xf32, #tpu.memory_space<vmem>>, vector<16xf32>,
      %gather3A_325 = tpu.vector_load_idx %arg6[%get3A_320] : memref<100000xf32, #tpu.memory_space<vmem>>[vector<16xi32>], vector<16xf32>,
      %sub3A_326 = arith.subf %get3A_324, %gather3A_325 : vector<16xf32>
      %mul3A_327 = arith.mulf %sub3A_326, %sub3A_326 : vector<16xf32>
      %add3A_328 = arith.addf %scan3A_297, %mul3A_327 : vector<16xf32>
      %mul3A_329 = arith.constant 64 : i32
      %mul3A_330 = arith.muli %scan3A_295, %mul3A_329 : i32
      %add3A_331 = arith.constant 32 : i32
      %add3A_332 = arith.addi %mul3A_330, %add3A_331 : i32
      %add3A_333 = arith.constant 12288 : i32
      %add3A_334 = arith.addi %add3A_333, %add3A_332 : i32
      %get3A_335 = arith.index_cast %add3A_334 : i32 to index
      %get3A_336 = tpu.vector_load %arg7[%get3A_335] {strides = array<i32>} : memref<16384xi32, #tpu.memory_space<vmem>>, vector<16xi32>,
      %get3A_337 = arith.constant 1 : i32
      %get3A_338 = arith.index_cast %get3A_337 : i32 to index
      %get3A_339 = arith.index_cast %add3A_332 : i32 to index
      %get3A_340 = tpu.vector_load %arg8[%get3A_338, %get3A_339] {strides = array<i32>} : memref<2x4096xf32, #tpu.memory_space<vmem>>, vector<16xf32>,
      %gather3A_341 = tpu.vector_load_idx %arg6[%get3A_336] : memref<100000xf32, #tpu.memory_space<vmem>>[vector<16xi32>], vector<16xf32>,
      %sub3A_342 = arith.subf %get3A_340, %gather3A_341 : vector<16xf32>
      %mul3A_343 = arith.mulf %sub3A_342, %sub3A_342 : vector<16xf32>
      %add3A_344 = arith.addf %scan3A_298, %mul3A_343 : vector<16xf32>
      %mul3A_345 = arith.constant 64 : i32
      %mul3A_346 = arith.muli %scan3A_295, %mul3A_345 : i32
      %add3A_347 = arith.constant 48 : i32
      %add3A_348 = arith.addi %mul3A_346, %add3A_347 : i32
      %add3A_349 = arith.constant 12288 : i32
      %add3A_350 = arith.addi %add3A_349, %add3A_348 : i32
      %get3A_351 = arith.index_cast %add3A_350 : i32 to index
      %get3A_352 = tpu.vector_load %arg7[%get3A_351] {strides = array<i32>} : memref<16384xi32, #tpu.memory_space<vmem>>, vector<16xi32>,
      %get3A_353 = arith.constant 1 : i32
      %get3A_354 = arith.index_cast %get3A_353 : i32 to index
      %get3A_355 = arith.index_cast %add3A_348 : i32 to index
      %get3A_356 = tpu.vector_load %arg8[%get3A_354, %get3A_355] {strides = array<i32>} : memref<2x4096xf32, #tpu.memory_space<vmem>>, vector<16xf32>,
      %gather3A_357 = tpu.vector_load_idx %arg6[%get3A_352] : memref<100000xf32, #tpu.memory_space<vmem>>[vector<16xi32>], vector<16xf32>,
      %sub3A_358 = arith.subf %get3A_356, %gather3A_357 : vector<16xf32>
      %mul3A_359 = arith.mulf %sub3A_358, %sub3A_358 : vector<16xf32>
      %add3A_360 = arith.addf %scan3A_299, %mul3A_359 : vector<16xf32>
      scf.yield %add3A_312, %add3A_328, %add3A_344, %add3A_360 : vector<16xf32>, vector<16xf32>, vector<16xf32>, vector<16xf32>
    }
    %scan3A_144 = arith.constant 64 : i32
    %add3A_145 = arith.constant 1 : i32
    %add3A_146 = arith.addi %add3A_12, %add3A_145 : i32
    %dma_start3A_147 = arith.constant 0 : i32
    %dma_start3A_148 = tpu.memref_slice %arg4[%add3A_146, %dma_start3A_147] : memref<64x100000xf32, #tpu.memory_space<hbm>> -> memref<1x100000xf32, #tpu.memory_space<hbm>>
    %dma_start3A_149 = tpu.memref_squeeze %dma_start3A_148 : memref<1x100000xf32, #tpu.memory_space<hbm>> -> memref<100000xf32, #tpu.memory_space<hbm>>
    %dma_start3A_150 = arith.constant 0 : i32
    %dma_start3A_151 = tpu.memref_slice %arg4[%add3A_146, %dma_start3A_150] : memref<64x100000xf32, #tpu.memory_space<hbm>> -> memref<1x100000xf32, #tpu.memory_space<hbm>>
    %dma_start3A_152 = tpu.memref_squeeze %dma_start3A_151 : memref<1x100000xf32, #tpu.memory_space<hbm>> -> memref<100000xf32, #tpu.memory_space<hbm>>
    tpu.enqueue_dma source(%dma_start3A_152 : memref<100000xf32, #tpu.memory_space<hbm>>) target(%arg6 : memref<100000xf32, #tpu.memory_space<vmem>>) target_semaphore(%arg10 : memref<!tpu.dma_semaphore, #tpu.memory_space<semaphore_mem>>)
    %mul3A_153 = arith.constant 2 : i32
    %mul3A_154 = arith.muli %add3A, %mul3A_153 : i32
    %add3A_155 = arith.constant 1 : i32
    %add3A_156 = arith.addi %mul3A_154, %add3A_155 : i32
    %dma_start3A_157 = arith.constant 0 : i32
    %dma_start3A_158 = arith.constant 0 : i32
    %dma_start3A_159 = tpu.memref_slice %arg8[%dma_start3A_157, %dma_start3A_158] : memref<2x4096xf32, #tpu.memory_space<vmem>> -> memref<1x4096xf32, #tpu.memory_space<vmem>>
    %dma_start3A_160 = tpu.memref_squeeze %dma_start3A_159 : memref<1x4096xf32, #tpu.memory_space<vmem>> -> memref<4096xf32, #tpu.memory_space<vmem>>
    %dma_start3A_161 = arith.constant 0 : i32
    %dma_start3A_162 = tpu.memref_slice %arg2[%add3A_156, %dma_start3A_161] : memref<64x16384xf32, #tpu.memory_space<hbm>> -> memref<1x4096xf32, #tpu.memory_space<hbm>>
    %dma_start3A_163 = tpu.memref_squeeze %dma_start3A_162 : memref<1x4096xf32, #tpu.memory_space<hbm>> -> memref<4096xf32, #tpu.memory_space<hbm>>
    %dma_start3A_164 = arith.constant 0 : i32
    %dma_start3A_165 = tpu.memref_slice %arg8[%dma_start3A_157, %dma_start3A_164] : memref<2x4096xf32, #tpu.memory_space<vmem>> -> memref<1x4096xf32, #tpu.memory_space<vmem>>
    %dma_start3A_166 = tpu.memref_squeeze %dma_start3A_165 : memref<1x4096xf32, #tpu.memory_space<vmem>> -> memref<4096xf32, #tpu.memory_space<vmem>>
    %dma_start3A_167 = arith.constant 0 : i32
    %dma_start3A_168 = tpu.memref_slice %arg2[%add3A_156, %dma_start3A_167] : memref<64x16384xf32, #tpu.memory_space<hbm>> -> memref<1x4096xf32, #tpu.memory_space<hbm>>
    %dma_start3A_169 = tpu.memref_squeeze %dma_start3A_168 : memref<1x4096xf32, #tpu.memory_space<hbm>> -> memref<4096xf32, #tpu.memory_space<hbm>>
    tpu.enqueue_dma source(%dma_start3A_169 : memref<4096xf32, #tpu.memory_space<hbm>>) target(%dma_start3A_166 : memref<4096xf32, #tpu.memory_space<vmem>>) target_semaphore(%arg12 : memref<!tpu.dma_semaphore, #tpu.memory_space<semaphore_mem>>)
    %dma_wait3A_170 = arith.constant 0 : i32
    %dma_wait3A_171 = tpu.memref_slice %arg4[%add3A_146, %dma_wait3A_170] : memref<64x100000xf32, #tpu.memory_space<hbm>> -> memref<1x100000xf32, #tpu.memory_space<hbm>>
    %dma_wait3A_172 = tpu.memref_squeeze %dma_wait3A_171 : memref<1x100000xf32, #tpu.memory_space<hbm>> -> memref<100000xf32, #tpu.memory_space<hbm>>
    %dma_wait3A_173 = arith.constant 0 : i32
    %dma_wait3A_174 = tpu.memref_slice %arg4[%add3A_146, %dma_wait3A_173] : memref<64x100000xf32, #tpu.memory_space<hbm>> -> memref<1x100000xf32, #tpu.memory_space<hbm>>
    %dma_wait3A_175 = tpu.memref_squeeze %dma_wait3A_174 : memref<1x100000xf32, #tpu.memory_space<hbm>> -> memref<100000xf32, #tpu.memory_space<hbm>>
    tpu.wait_dma2 semaphore(%arg10 : memref<!tpu.dma_semaphore, #tpu.memory_space<semaphore_mem>>) src(%dma_wait3A_175 : memref<100000xf32, #tpu.memory_space<hbm>>) dst(%arg6 : memref<100000xf32, #tpu.memory_space<vmem>>)
    %dma_wait3A_176 = arith.constant 0 : i32
    %dma_wait3A_177 = arith.constant 0 : i32
    %dma_wait3A_178 = tpu.memref_slice %arg8[%dma_wait3A_176, %dma_wait3A_177] : memref<2x4096xf32, #tpu.memory_space<vmem>> -> memref<1x4096xf32, #tpu.memory_space<vmem>>
    %dma_wait3A_179 = tpu.memref_squeeze %dma_wait3A_178 : memref<1x4096xf32, #tpu.memory_space<vmem>> -> memref<4096xf32, #tpu.memory_space<vmem>>
    %dma_wait3A_180 = arith.constant 0 : i32
    %dma_wait3A_181 = tpu.memref_slice %arg2[%add3A_156, %dma_wait3A_180] : memref<64x16384xf32, #tpu.memory_space<hbm>> -> memref<1x4096xf32, #tpu.memory_space<hbm>>
    %dma_wait3A_182 = tpu.memref_squeeze %dma_wait3A_181 : memref<1x4096xf32, #tpu.memory_space<hbm>> -> memref<4096xf32, #tpu.memory_space<hbm>>
    %dma_wait3A_183 = arith.constant 0 : i32
    %dma_wait3A_184 = tpu.memref_slice %arg8[%dma_wait3A_176, %dma_wait3A_183] : memref<2x4096xf32, #tpu.memory_space<vmem>> -> memref<1x4096xf32, #tpu.memory_space<vmem>>
    %dma_wait3A_185 = tpu.memref_squeeze %dma_wait3A_184 : memref<1x4096xf32, #tpu.memory_space<vmem>> -> memref<4096xf32, #tpu.memory_space<vmem>>
    %dma_wait3A_186 = arith.constant 0 : i32
    %dma_wait3A_187 = tpu.memref_slice %arg2[%add3A_156, %dma_wait3A_186] : memref<64x16384xf32, #tpu.memory_space<hbm>> -> memref<1x4096xf32, #tpu.memory_space<hbm>>
    %dma_wait3A_188 = tpu.memref_squeeze %dma_wait3A_187 : memref<1x4096xf32, #tpu.memory_space<hbm>> -> memref<4096xf32, #tpu.memory_space<hbm>>
    tpu.wait_dma2 semaphore(%arg12 : memref<!tpu.dma_semaphore, #tpu.memory_space<semaphore_mem>>) src(%dma_wait3A_188 : memref<4096xf32, #tpu.memory_space<hbm>>) dst(%dma_wait3A_185 : memref<4096xf32, #tpu.memory_space<vmem>>)
    %dma_start3A_189 = arith.constant 1 : i32
    %dma_start3A_190 = arith.constant 0 : i32
    %dma_start3A_191 = tpu.memref_slice %arg8[%dma_start3A_189, %dma_start3A_190] : memref<2x4096xf32, #tpu.memory_space<vmem>> -> memref<1x4096xf32, #tpu.memory_space<vmem>>
    %dma_start3A_192 = tpu.memref_squeeze %dma_start3A_191 : memref<1x4096xf32, #tpu.memory_space<vmem>> -> memref<4096xf32, #tpu.memory_space<vmem>>
    %dma_start3A_193 = arith.constant 4096 : i32
    %dma_start3A_194 = tpu.memref_slice %arg2[%add3A_156, %dma_start3A_193] : memref<64x16384xf32, #tpu.memory_space<hbm>> -> memref<1x4096xf32, #tpu.memory_space<hbm>>
    %dma_start3A_195 = tpu.memref_squeeze %dma_start3A_194 : memref<1x4096xf32, #tpu.memory_space<hbm>> -> memref<4096xf32, #tpu.memory_space<hbm>>
    %dma_start3A_196 = arith.constant 0 : i32
    %dma_start3A_197 = tpu.memref_slice %arg8[%dma_start3A_189, %dma_start3A_196] : memref<2x4096xf32, #tpu.memory_space<vmem>> -> memref<1x4096xf32, #tpu.memory_space<vmem>>
    %dma_start3A_198 = tpu.memref_squeeze %dma_start3A_197 : memref<1x4096xf32, #tpu.memory_space<vmem>> -> memref<4096xf32, #tpu.memory_space<vmem>>
    %dma_start3A_199 = arith.constant 4096 : i32
    %dma_start3A_200 = tpu.memref_slice %arg2[%add3A_156, %dma_start3A_199] : memref<64x16384xf32, #tpu.memory_space<hbm>> -> memref<1x4096xf32, #tpu.memory_space<hbm>>
    %dma_start3A_201 = tpu.memref_squeeze %dma_start3A_200 : memref<1x4096xf32, #tpu.memory_space<hbm>> -> memref<4096xf32, #tpu.memory_space<hbm>>
    tpu.enqueue_dma source(%dma_start3A_201 : memref<4096xf32, #tpu.memory_space<hbm>>) target(%dma_start3A_198 : memref<4096xf32, #tpu.memory_space<vmem>>) target_semaphore(%arg13 : memref<!tpu.dma_semaphore, #tpu.memory_space<semaphore_mem>>)
    %scan3A_202 = arith.constant 0 : i32
    %scan3A_203 = arith.constant 64 : i32
    %scan3A_204 = arith.addi %scan3A_202, %scan3A_203 : i32
    %scan3A_205 = arith.constant 1 : i32
    %scan3A_206:4 = scf.for %scan3A_295 = %scan3A_202 to %scan3A_204 step %scan3A_205 iter_args(%scan3A_296 = %scan3A_143#0, %scan3A_297 = %scan3A_143#1, %scan3A_298 = %scan3A_143#2, %scan3A_299 = %scan3A_143#3) -> (vector<16xf32>, vector<16xf32>, vector<16xf32>, vector<16xf32>)  : i32 {
      %mul3A_300 = arith.constant 64 : i32
      %mul3A_301 = arith.muli %scan3A_295, %mul3A_300 : i32
      %add3A_302 = arith.constant 0 : i32
      %add3A_303 = arith.addi %mul3A_301, %add3A_302 : i32
      %add3A_304 = arith.constant 0 : i32
      %add3A_305 = arith.addi %add3A_304, %add3A_303 : i32
      %get3A = arith.index_cast %add3A_305 : i32 to index
      %get3A_306 = tpu.vector_load %arg7[%get3A] {strides = array<i32>} : memref<16384xi32, #tpu.memory_space<vmem>>, vector<16xi32>,
      %get3A_307 = arith.constant 0 : i32
      %get3A_308 = arith.index_cast %get3A_307 : i32 to index
      %get3A_309 = arith.index_cast %add3A_303 : i32 to index
      %get3A_310 = tpu.vector_load %arg8[%get3A_308, %get3A_309] {strides = array<i32>} : memref<2x4096xf32, #tpu.memory_space<vmem>>, vector<16xf32>,
      %gather3A = tpu.vector_load_idx %arg6[%get3A_306] : memref<100000xf32, #tpu.memory_space<vmem>>[vector<16xi32>], vector<16xf32>,
      %sub3A = arith.subf %get3A_310, %gather3A : vector<16xf32>
      %mul3A_311 = arith.mulf %sub3A, %sub3A : vector<16xf32>
      %add3A_312 = arith.addf %scan3A_296, %mul3A_311 : vector<16xf32>
      %mul3A_313 = arith.constant 64 : i32
      %mul3A_314 = arith.muli %scan3A_295, %mul3A_313 : i32
      %add3A_315 = arith.constant 16 : i32
      %add3A_316 = arith.addi %mul3A_314, %add3A_315 : i32
      %add3A_317 = arith.constant 0 : i32
      %add3A_318 = arith.addi %add3A_317, %add3A_316 : i32
      %get3A_319 = arith.index_cast %add3A_318 : i32 to index
      %get3A_320 = tpu.vector_load %arg7[%get3A_319] {strides = array<i32>} : memref<16384xi32, #tpu.memory_space<vmem>>, vector<16xi32>,
      %get3A_321 = arith.constant 0 : i32
      %get3A_322 = arith.index_cast %get3A_321 : i32 to index
      %get3A_323 = arith.index_cast %add3A_316 : i32 to index
      %get3A_324 = tpu.vector_load %arg8[%get3A_322, %get3A_323] {strides = array<i32>} : memref<2x4096xf32, #tpu.memory_space<vmem>>, vector<16xf32>,
      %gather3A_325 = tpu.vector_load_idx %arg6[%get3A_320] : memref<100000xf32, #tpu.memory_space<vmem>>[vector<16xi32>], vector<16xf32>,
      %sub3A_326 = arith.subf %get3A_324, %gather3A_325 : vector<16xf32>
      %mul3A_327 = arith.mulf %sub3A_326, %sub3A_326 : vector<16xf32>
      %add3A_328 = arith.addf %scan3A_297, %mul3A_327 : vector<16xf32>
      %mul3A_329 = arith.constant 64 : i32
      %mul3A_330 = arith.muli %scan3A_295, %mul3A_329 : i32
      %add3A_331 = arith.constant 32 : i32
      %add3A_332 = arith.addi %mul3A_330, %add3A_331 : i32
      %add3A_333 = arith.constant 0 : i32
      %add3A_334 = arith.addi %add3A_333, %add3A_332 : i32
      %get3A_335 = arith.index_cast %add3A_334 : i32 to index
      %get3A_336 = tpu.vector_load %arg7[%get3A_335] {strides = array<i32>} : memref<16384xi32, #tpu.memory_space<vmem>>, vector<16xi32>,
      %get3A_337 = arith.constant 0 : i32
      %get3A_338 = arith.index_cast %get3A_337 : i32 to index
      %get3A_339 = arith.index_cast %add3A_332 : i32 to index
      %get3A_340 = tpu.vector_load %arg8[%get3A_338, %get3A_339] {strides = array<i32>} : memref<2x4096xf32, #tpu.memory_space<vmem>>, vector<16xf32>,
      %gather3A_341 = tpu.vector_load_idx %arg6[%get3A_336] : memref<100000xf32, #tpu.memory_space<vmem>>[vector<16xi32>], vector<16xf32>,
      %sub3A_342 = arith.subf %get3A_340, %gather3A_341 : vector<16xf32>
      %mul3A_343 = arith.mulf %sub3A_342, %sub3A_342 : vector<16xf32>
      %add3A_344 = arith.addf %scan3A_298, %mul3A_343 : vector<16xf32>
      %mul3A_345 = arith.constant 64 : i32
      %mul3A_346 = arith.muli %scan3A_295, %mul3A_345 : i32
      %add3A_347 = arith.constant 48 : i32
      %add3A_348 = arith.addi %mul3A_346, %add3A_347 : i32
      %add3A_349 = arith.constant 0 : i32
      %add3A_350 = arith.addi %add3A_349, %add3A_348 : i32
      %get3A_351 = arith.index_cast %add3A_350 : i32 to index
      %get3A_352 = tpu.vector_load %arg7[%get3A_351] {strides = array<i32>} : memref<16384xi32, #tpu.memory_space<vmem>>, vector<16xi32>,
      %get3A_353 = arith.constant 0 : i32
      %get3A_354 = arith.index_cast %get3A_353 : i32 to index
      %get3A_355 = arith.index_cast %add3A_348 : i32 to index
      %get3A_356 = tpu.vector_load %arg8[%get3A_354, %get3A_355] {strides = array<i32>} : memref<2x4096xf32, #tpu.memory_space<vmem>>, vector<16xf32>,
      %gather3A_357 = tpu.vector_load_idx %arg6[%get3A_352] : memref<100000xf32, #tpu.memory_space<vmem>>[vector<16xi32>], vector<16xf32>,
      %sub3A_358 = arith.subf %get3A_356, %gather3A_357 : vector<16xf32>
      %mul3A_359 = arith.mulf %sub3A_358, %sub3A_358 : vector<16xf32>
      %add3A_360 = arith.addf %scan3A_299, %mul3A_359 : vector<16xf32>
      scf.yield %add3A_312, %add3A_328, %add3A_344, %add3A_360 : vector<16xf32>, vector<16xf32>, vector<16xf32>, vector<16xf32>
    }
    %scan3A_207 = arith.constant 64 : i32
    %dma_wait3A_208 = arith.constant 1 : i32
    %dma_wait3A_209 = arith.constant 0 : i32
    %dma_wait3A_210 = tpu.memref_slice %arg8[%dma_wait3A_208, %dma_wait3A_209] : memref<2x4096xf32, #tpu.memory_space<vmem>> -> memref<1x4096xf32, #tpu.memory_space<vmem>>
    %dma_wait3A_211 = tpu.memref_squeeze %dma_wait3A_210 : memref<1x4096xf32, #tpu.memory_space<vmem>> -> memref<4096xf32, #tpu.memory_space<vmem>>
    %dma_wait3A_212 = arith.constant 4096 : i32
    %dma_wait3A_213 = tpu.memref_slice %arg2[%add3A_156, %dma_wait3A_212] : memref<64x16384xf32, #tpu.memory_space<hbm>> -> memref<1x4096xf32, #tpu.memory_space<hbm>>
    %dma_wait3A_214 = tpu.memref_squeeze %dma_wait3A_213 : memref<1x4096xf32, #tpu.memory_space<hbm>> -> memref<4096xf32, #tpu.memory_space<hbm>>
    %dma_wait3A_215 = arith.constant 0 : i32
    %dma_wait3A_216 = tpu.memref_slice %arg8[%dma_wait3A_208, %dma_wait3A_215] : memref<2x4096xf32, #tpu.memory_space<vmem>> -> memref<1x4096xf32, #tpu.memory_space<vmem>>
    %dma_wait3A_217 = tpu.memref_squeeze %dma_wait3A_216 : memref<1x4096xf32, #tpu.memory_space<vmem>> -> memref<4096xf32, #tpu.memory_space<vmem>>
    %dma_wait3A_218 = arith.constant 4096 : i32
    %dma_wait3A_219 = tpu.memref_slice %arg2[%add3A_156, %dma_wait3A_218] : memref<64x16384xf32, #tpu.memory_space<hbm>> -> memref<1x4096xf32, #tpu.memory_space<hbm>>
    %dma_wait3A_220 = tpu.memref_squeeze %dma_wait3A_219 : memref<1x4096xf32, #tpu.memory_space<hbm>> -> memref<4096xf32, #tpu.memory_space<hbm>>
    tpu.wait_dma2 semaphore(%arg13 : memref<!tpu.dma_semaphore, #tpu.memory_space<semaphore_mem>>) src(%dma_wait3A_220 : memref<4096xf32, #tpu.memory_space<hbm>>) dst(%dma_wait3A_217 : memref<4096xf32, #tpu.memory_space<vmem>>)
    %dma_start3A_221 = arith.constant 0 : i32
    %dma_start3A_222 = arith.constant 0 : i32
    %dma_start3A_223 = tpu.memref_slice %arg8[%dma_start3A_221, %dma_start3A_222] : memref<2x4096xf32, #tpu.memory_space<vmem>> -> memref<1x4096xf32, #tpu.memory_space<vmem>>
    %dma_start3A_224 = tpu.memref_squeeze %dma_start3A_223 : memref<1x4096xf32, #tpu.memory_space<vmem>> -> memref<4096xf32, #tpu.memory_space<vmem>>
    %dma_start3A_225 = arith.constant 8192 : i32
    %dma_start3A_226 = tpu.memref_slice %arg2[%add3A_156, %dma_start3A_225] : memref<64x16384xf32, #tpu.memory_space<hbm>> -> memref<1x4096xf32, #tpu.memory_space<hbm>>
    %dma_start3A_227 = tpu.memref_squeeze %dma_start3A_226 : memref<1x4096xf32, #tpu.memory_space<hbm>> -> memref<4096xf32, #tpu.memory_space<hbm>>
    %dma_start3A_228 = arith.constant 0 : i32
    %dma_start3A_229 = tpu.memref_slice %arg8[%dma_start3A_221, %dma_start3A_228] : memref<2x4096xf32, #tpu.memory_space<vmem>> -> memref<1x4096xf32, #tpu.memory_space<vmem>>
    %dma_start3A_230 = tpu.memref_squeeze %dma_start3A_229 : memref<1x4096xf32, #tpu.memory_space<vmem>> -> memref<4096xf32, #tpu.memory_space<vmem>>
    %dma_start3A_231 = arith.constant 8192 : i32
    %dma_start3A_232 = tpu.memref_slice %arg2[%add3A_156, %dma_start3A_231] : memref<64x16384xf32, #tpu.memory_space<hbm>> -> memref<1x4096xf32, #tpu.memory_space<hbm>>
    %dma_start3A_233 = tpu.memref_squeeze %dma_start3A_232 : memref<1x4096xf32, #tpu.memory_space<hbm>> -> memref<4096xf32, #tpu.memory_space<hbm>>
    tpu.enqueue_dma source(%dma_start3A_233 : memref<4096xf32, #tpu.memory_space<hbm>>) target(%dma_start3A_230 : memref<4096xf32, #tpu.memory_space<vmem>>) target_semaphore(%arg12 : memref<!tpu.dma_semaphore, #tpu.memory_space<semaphore_mem>>)
    %scan3A_234 = arith.constant 0 : i32
    %scan3A_235 = arith.constant 64 : i32
    %scan3A_236 = arith.addi %scan3A_234, %scan3A_235 : i32
    %scan3A_237 = arith.constant 1 : i32
    %scan3A_238:4 = scf.for %scan3A_295 = %scan3A_234 to %scan3A_236 step %scan3A_237 iter_args(%scan3A_296 = %scan3A_206#0, %scan3A_297 = %scan3A_206#1, %scan3A_298 = %scan3A_206#2, %scan3A_299 = %scan3A_206#3) -> (vector<16xf32>, vector<16xf32>, vector<16xf32>, vector<16xf32>)  : i32 {
      %mul3A_300 = arith.constant 64 : i32
      %mul3A_301 = arith.muli %scan3A_295, %mul3A_300 : i32
      %add3A_302 = arith.constant 0 : i32
      %add3A_303 = arith.addi %mul3A_301, %add3A_302 : i32
      %add3A_304 = arith.constant 4096 : i32
      %add3A_305 = arith.addi %add3A_304, %add3A_303 : i32
      %get3A = arith.index_cast %add3A_305 : i32 to index
      %get3A_306 = tpu.vector_load %arg7[%get3A] {strides = array<i32>} : memref<16384xi32, #tpu.memory_space<vmem>>, vector<16xi32>,
      %get3A_307 = arith.constant 1 : i32
      %get3A_308 = arith.index_cast %get3A_307 : i32 to index
      %get3A_309 = arith.index_cast %add3A_303 : i32 to index
      %get3A_310 = tpu.vector_load %arg8[%get3A_308, %get3A_309] {strides = array<i32>} : memref<2x4096xf32, #tpu.memory_space<vmem>>, vector<16xf32>,
      %gather3A = tpu.vector_load_idx %arg6[%get3A_306] : memref<100000xf32, #tpu.memory_space<vmem>>[vector<16xi32>], vector<16xf32>,
      %sub3A = arith.subf %get3A_310, %gather3A : vector<16xf32>
      %mul3A_311 = arith.mulf %sub3A, %sub3A : vector<16xf32>
      %add3A_312 = arith.addf %scan3A_296, %mul3A_311 : vector<16xf32>
      %mul3A_313 = arith.constant 64 : i32
      %mul3A_314 = arith.muli %scan3A_295, %mul3A_313 : i32
      %add3A_315 = arith.constant 16 : i32
      %add3A_316 = arith.addi %mul3A_314, %add3A_315 : i32
      %add3A_317 = arith.constant 4096 : i32
      %add3A_318 = arith.addi %add3A_317, %add3A_316 : i32
      %get3A_319 = arith.index_cast %add3A_318 : i32 to index
      %get3A_320 = tpu.vector_load %arg7[%get3A_319] {strides = array<i32>} : memref<16384xi32, #tpu.memory_space<vmem>>, vector<16xi32>,
      %get3A_321 = arith.constant 1 : i32
      %get3A_322 = arith.index_cast %get3A_321 : i32 to index
      %get3A_323 = arith.index_cast %add3A_316 : i32 to index
      %get3A_324 = tpu.vector_load %arg8[%get3A_322, %get3A_323] {strides = array<i32>} : memref<2x4096xf32, #tpu.memory_space<vmem>>, vector<16xf32>,
      %gather3A_325 = tpu.vector_load_idx %arg6[%get3A_320] : memref<100000xf32, #tpu.memory_space<vmem>>[vector<16xi32>], vector<16xf32>,
      %sub3A_326 = arith.subf %get3A_324, %gather3A_325 : vector<16xf32>
      %mul3A_327 = arith.mulf %sub3A_326, %sub3A_326 : vector<16xf32>
      %add3A_328 = arith.addf %scan3A_297, %mul3A_327 : vector<16xf32>
      %mul3A_329 = arith.constant 64 : i32
      %mul3A_330 = arith.muli %scan3A_295, %mul3A_329 : i32
      %add3A_331 = arith.constant 32 : i32
      %add3A_332 = arith.addi %mul3A_330, %add3A_331 : i32
      %add3A_333 = arith.constant 4096 : i32
      %add3A_334 = arith.addi %add3A_333, %add3A_332 : i32
      %get3A_335 = arith.index_cast %add3A_334 : i32 to index
      %get3A_336 = tpu.vector_load %arg7[%get3A_335] {strides = array<i32>} : memref<16384xi32, #tpu.memory_space<vmem>>, vector<16xi32>,
      %get3A_337 = arith.constant 1 : i32
      %get3A_338 = arith.index_cast %get3A_337 : i32 to index
      %get3A_339 = arith.index_cast %add3A_332 : i32 to index
      %get3A_340 = tpu.vector_load %arg8[%get3A_338, %get3A_339] {strides = array<i32>} : memref<2x4096xf32, #tpu.memory_space<vmem>>, vector<16xf32>,
      %gather3A_341 = tpu.vector_load_idx %arg6[%get3A_336] : memref<100000xf32, #tpu.memory_space<vmem>>[vector<16xi32>], vector<16xf32>,
      %sub3A_342 = arith.subf %get3A_340, %gather3A_341 : vector<16xf32>
      %mul3A_343 = arith.mulf %sub3A_342, %sub3A_342 : vector<16xf32>
      %add3A_344 = arith.addf %scan3A_298, %mul3A_343 : vector<16xf32>
      %mul3A_345 = arith.constant 64 : i32
      %mul3A_346 = arith.muli %scan3A_295, %mul3A_345 : i32
      %add3A_347 = arith.constant 48 : i32
      %add3A_348 = arith.addi %mul3A_346, %add3A_347 : i32
      %add3A_349 = arith.constant 4096 : i32
      %add3A_350 = arith.addi %add3A_349, %add3A_348 : i32
      %get3A_351 = arith.index_cast %add3A_350 : i32 to index
      %get3A_352 = tpu.vector_load %arg7[%get3A_351] {strides = array<i32>} : memref<16384xi32, #tpu.memory_space<vmem>>, vector<16xi32>,
      %get3A_353 = arith.constant 1 : i32
      %get3A_354 = arith.index_cast %get3A_353 : i32 to index
      %get3A_355 = arith.index_cast %add3A_348 : i32 to index
      %get3A_356 = tpu.vector_load %arg8[%get3A_354, %get3A_355] {strides = array<i32>} : memref<2x4096xf32, #tpu.memory_space<vmem>>, vector<16xf32>,
      %gather3A_357 = tpu.vector_load_idx %arg6[%get3A_352] : memref<100000xf32, #tpu.memory_space<vmem>>[vector<16xi32>], vector<16xf32>,
      %sub3A_358 = arith.subf %get3A_356, %gather3A_357 : vector<16xf32>
      %mul3A_359 = arith.mulf %sub3A_358, %sub3A_358 : vector<16xf32>
      %add3A_360 = arith.addf %scan3A_299, %mul3A_359 : vector<16xf32>
      scf.yield %add3A_312, %add3A_328, %add3A_344, %add3A_360 : vector<16xf32>, vector<16xf32>, vector<16xf32>, vector<16xf32>
    }
    %scan3A_239 = arith.constant 64 : i32
    %dma_wait3A_240 = arith.constant 0 : i32
    %dma_wait3A_241 = arith.constant 0 : i32
    %dma_wait3A_242 = tpu.memref_slice %arg8[%dma_wait3A_240, %dma_wait3A_241] : memref<2x4096xf32, #tpu.memory_space<vmem>> -> memref<1x4096xf32, #tpu.memory_space<vmem>>
    %dma_wait3A_243 = tpu.memref_squeeze %dma_wait3A_242 : memref<1x4096xf32, #tpu.memory_space<vmem>> -> memref<4096xf32, #tpu.memory_space<vmem>>
    %dma_wait3A_244 = arith.constant 8192 : i32
    %dma_wait3A_245 = tpu.memref_slice %arg2[%add3A_156, %dma_wait3A_244] : memref<64x16384xf32, #tpu.memory_space<hbm>> -> memref<1x4096xf32, #tpu.memory_space<hbm>>
    %dma_wait3A_246 = tpu.memref_squeeze %dma_wait3A_245 : memref<1x4096xf32, #tpu.memory_space<hbm>> -> memref<4096xf32, #tpu.memory_space<hbm>>
    %dma_wait3A_247 = arith.constant 0 : i32
    %dma_wait3A_248 = tpu.memref_slice %arg8[%dma_wait3A_240, %dma_wait3A_247] : memref<2x4096xf32, #tpu.memory_space<vmem>> -> memref<1x4096xf32, #tpu.memory_space<vmem>>
    %dma_wait3A_249 = tpu.memref_squeeze %dma_wait3A_248 : memref<1x4096xf32, #tpu.memory_space<vmem>> -> memref<4096xf32, #tpu.memory_space<vmem>>
    %dma_wait3A_250 = arith.constant 8192 : i32
    %dma_wait3A_251 = tpu.memref_slice %arg2[%add3A_156, %dma_wait3A_250] : memref<64x16384xf32, #tpu.memory_space<hbm>> -> memref<1x4096xf32, #tpu.memory_space<hbm>>
    %dma_wait3A_252 = tpu.memref_squeeze %dma_wait3A_251 : memref<1x4096xf32, #tpu.memory_space<hbm>> -> memref<4096xf32, #tpu.memory_space<hbm>>
    tpu.wait_dma2 semaphore(%arg12 : memref<!tpu.dma_semaphore, #tpu.memory_space<semaphore_mem>>) src(%dma_wait3A_252 : memref<4096xf32, #tpu.memory_space<hbm>>) dst(%dma_wait3A_249 : memref<4096xf32, #tpu.memory_space<vmem>>)
    %dma_start3A_253 = arith.constant 1 : i32
    %dma_start3A_254 = arith.constant 0 : i32
    %dma_start3A_255 = tpu.memref_slice %arg8[%dma_start3A_253, %dma_start3A_254] : memref<2x4096xf32, #tpu.memory_space<vmem>> -> memref<1x4096xf32, #tpu.memory_space<vmem>>
    %dma_start3A_256 = tpu.memref_squeeze %dma_start3A_255 : memref<1x4096xf32, #tpu.memory_space<vmem>> -> memref<4096xf32, #tpu.memory_space<vmem>>
    %dma_start3A_257 = arith.constant 12288 : i32
    %dma_start3A_258 = tpu.memref_slice %arg2[%add3A_156, %dma_start3A_257] : memref<64x16384xf32, #tpu.memory_space<hbm>> -> memref<1x4096xf32, #tpu.memory_space<hbm>>
    %dma_start3A_259 = tpu.memref_squeeze %dma_start3A_258 : memref<1x4096xf32, #tpu.memory_space<hbm>> -> memref<4096xf32, #tpu.memory_space<hbm>>
    %dma_start3A_260 = arith.constant 0 : i32
    %dma_start3A_261 = tpu.memref_slice %arg8[%dma_start3A_253, %dma_start3A_260] : memref<2x4096xf32, #tpu.memory_space<vmem>> -> memref<1x4096xf32, #tpu.memory_space<vmem>>
    %dma_start3A_262 = tpu.memref_squeeze %dma_start3A_261 : memref<1x4096xf32, #tpu.memory_space<vmem>> -> memref<4096xf32, #tpu.memory_space<vmem>>
    %dma_start3A_263 = arith.constant 12288 : i32
    %dma_start3A_264 = tpu.memref_slice %arg2[%add3A_156, %dma_start3A_263] : memref<64x16384xf32, #tpu.memory_space<hbm>> -> memref<1x4096xf32, #tpu.memory_space<hbm>>
    %dma_start3A_265 = tpu.memref_squeeze %dma_start3A_264 : memref<1x4096xf32, #tpu.memory_space<hbm>> -> memref<4096xf32, #tpu.memory_space<hbm>>
    tpu.enqueue_dma source(%dma_start3A_265 : memref<4096xf32, #tpu.memory_space<hbm>>) target(%dma_start3A_262 : memref<4096xf32, #tpu.memory_space<vmem>>) target_semaphore(%arg13 : memref<!tpu.dma_semaphore, #tpu.memory_space<semaphore_mem>>)
    %scan3A_266 = arith.constant 0 : i32
    %scan3A_267 = arith.constant 64 : i32
    %scan3A_268 = arith.addi %scan3A_266, %scan3A_267 : i32
    %scan3A_269 = arith.constant 1 : i32
    %scan3A_270:4 = scf.for %scan3A_295 = %scan3A_266 to %scan3A_268 step %scan3A_269 iter_args(%scan3A_296 = %scan3A_238#0, %scan3A_297 = %scan3A_238#1, %scan3A_298 = %scan3A_238#2, %scan3A_299 = %scan3A_238#3) -> (vector<16xf32>, vector<16xf32>, vector<16xf32>, vector<16xf32>)  : i32 {
      %mul3A_300 = arith.constant 64 : i32
      %mul3A_301 = arith.muli %scan3A_295, %mul3A_300 : i32
      %add3A_302 = arith.constant 0 : i32
      %add3A_303 = arith.addi %mul3A_301, %add3A_302 : i32
      %add3A_304 = arith.constant 8192 : i32
      %add3A_305 = arith.addi %add3A_304, %add3A_303 : i32
      %get3A = arith.index_cast %add3A_305 : i32 to index
      %get3A_306 = tpu.vector_load %arg7[%get3A] {strides = array<i32>} : memref<16384xi32, #tpu.memory_space<vmem>>, vector<16xi32>,
      %get3A_307 = arith.constant 0 : i32
      %get3A_308 = arith.index_cast %get3A_307 : i32 to index
      %get3A_309 = arith.index_cast %add3A_303 : i32 to index
      %get3A_310 = tpu.vector_load %arg8[%get3A_308, %get3A_309] {strides = array<i32>} : memref<2x4096xf32, #tpu.memory_space<vmem>>, vector<16xf32>,
      %gather3A = tpu.vector_load_idx %arg6[%get3A_306] : memref<100000xf32, #tpu.memory_space<vmem>>[vector<16xi32>], vector<16xf32>,
      %sub3A = arith.subf %get3A_310, %gather3A : vector<16xf32>
      %mul3A_311 = arith.mulf %sub3A, %sub3A : vector<16xf32>
      %add3A_312 = arith.addf %scan3A_296, %mul3A_311 : vector<16xf32>
      %mul3A_313 = arith.constant 64 : i32
      %mul3A_314 = arith.muli %scan3A_295, %mul3A_313 : i32
      %add3A_315 = arith.constant 16 : i32
      %add3A_316 = arith.addi %mul3A_314, %add3A_315 : i32
      %add3A_317 = arith.constant 8192 : i32
      %add3A_318 = arith.addi %add3A_317, %add3A_316 : i32
      %get3A_319 = arith.index_cast %add3A_318 : i32 to index
      %get3A_320 = tpu.vector_load %arg7[%get3A_319] {strides = array<i32>} : memref<16384xi32, #tpu.memory_space<vmem>>, vector<16xi32>,
      %get3A_321 = arith.constant 0 : i32
      %get3A_322 = arith.index_cast %get3A_321 : i32 to index
      %get3A_323 = arith.index_cast %add3A_316 : i32 to index
      %get3A_324 = tpu.vector_load %arg8[%get3A_322, %get3A_323] {strides = array<i32>} : memref<2x4096xf32, #tpu.memory_space<vmem>>, vector<16xf32>,
      %gather3A_325 = tpu.vector_load_idx %arg6[%get3A_320] : memref<100000xf32, #tpu.memory_space<vmem>>[vector<16xi32>], vector<16xf32>,
      %sub3A_326 = arith.subf %get3A_324, %gather3A_325 : vector<16xf32>
      %mul3A_327 = arith.mulf %sub3A_326, %sub3A_326 : vector<16xf32>
      %add3A_328 = arith.addf %scan3A_297, %mul3A_327 : vector<16xf32>
      %mul3A_329 = arith.constant 64 : i32
      %mul3A_330 = arith.muli %scan3A_295, %mul3A_329 : i32
      %add3A_331 = arith.constant 32 : i32
      %add3A_332 = arith.addi %mul3A_330, %add3A_331 : i32
      %add3A_333 = arith.constant 8192 : i32
      %add3A_334 = arith.addi %add3A_333, %add3A_332 : i32
      %get3A_335 = arith.index_cast %add3A_334 : i32 to index
      %get3A_336 = tpu.vector_load %arg7[%get3A_335] {strides = array<i32>} : memref<16384xi32, #tpu.memory_space<vmem>>, vector<16xi32>,
      %get3A_337 = arith.constant 0 : i32
      %get3A_338 = arith.index_cast %get3A_337 : i32 to index
      %get3A_339 = arith.index_cast %add3A_332 : i32 to index
      %get3A_340 = tpu.vector_load %arg8[%get3A_338, %get3A_339] {strides = array<i32>} : memref<2x4096xf32, #tpu.memory_space<vmem>>, vector<16xf32>,
      %gather3A_341 = tpu.vector_load_idx %arg6[%get3A_336] : memref<100000xf32, #tpu.memory_space<vmem>>[vector<16xi32>], vector<16xf32>,
      %sub3A_342 = arith.subf %get3A_340, %gather3A_341 : vector<16xf32>
      %mul3A_343 = arith.mulf %sub3A_342, %sub3A_342 : vector<16xf32>
      %add3A_344 = arith.addf %scan3A_298, %mul3A_343 : vector<16xf32>
      %mul3A_345 = arith.constant 64 : i32
      %mul3A_346 = arith.muli %scan3A_295, %mul3A_345 : i32
      %add3A_347 = arith.constant 48 : i32
      %add3A_348 = arith.addi %mul3A_346, %add3A_347 : i32
      %add3A_349 = arith.constant 8192 : i32
      %add3A_350 = arith.addi %add3A_349, %add3A_348 : i32
      %get3A_351 = arith.index_cast %add3A_350 : i32 to index
      %get3A_352 = tpu.vector_load %arg7[%get3A_351] {strides = array<i32>} : memref<16384xi32, #tpu.memory_space<vmem>>, vector<16xi32>,
      %get3A_353 = arith.constant 0 : i32
      %get3A_354 = arith.index_cast %get3A_353 : i32 to index
      %get3A_355 = arith.index_cast %add3A_348 : i32 to index
      %get3A_356 = tpu.vector_load %arg8[%get3A_354, %get3A_355] {strides = array<i32>} : memref<2x4096xf32, #tpu.memory_space<vmem>>, vector<16xf32>,
      %gather3A_357 = tpu.vector_load_idx %arg6[%get3A_352] : memref<100000xf32, #tpu.memory_space<vmem>>[vector<16xi32>], vector<16xf32>,
      %sub3A_358 = arith.subf %get3A_356, %gather3A_357 : vector<16xf32>
      %mul3A_359 = arith.mulf %sub3A_358, %sub3A_358 : vector<16xf32>
      %add3A_360 = arith.addf %scan3A_299, %mul3A_359 : vector<16xf32>
      scf.yield %add3A_312, %add3A_328, %add3A_344, %add3A_360 : vector<16xf32>, vector<16xf32>, vector<16xf32>, vector<16xf32>
    }
    %scan3A_271 = arith.constant 64 : i32
    %dma_wait3A_272 = arith.constant 1 : i32
    %dma_wait3A_273 = arith.constant 0 : i32
    %dma_wait3A_274 = tpu.memref_slice %arg8[%dma_wait3A_272, %dma_wait3A_273] : memref<2x4096xf32, #tpu.memory_space<vmem>> -> memref<1x4096xf32, #tpu.memory_space<vmem>>
    %dma_wait3A_275 = tpu.memref_squeeze %dma_wait3A_274 : memref<1x4096xf32, #tpu.memory_space<vmem>> -> memref<4096xf32, #tpu.memory_space<vmem>>
    %dma_wait3A_276 = arith.constant 12288 : i32
    %dma_wait3A_277 = tpu.memref_slice %arg2[%add3A_156, %dma_wait3A_276] : memref<64x16384xf32, #tpu.memory_space<hbm>> -> memref<1x4096xf32, #tpu.memory_space<hbm>>
    %dma_wait3A_278 = tpu.memref_squeeze %dma_wait3A_277 : memref<1x4096xf32, #tpu.memory_space<hbm>> -> memref<4096xf32, #tpu.memory_space<hbm>>
    %dma_wait3A_279 = arith.constant 0 : i32
    %dma_wait3A_280 = tpu.memref_slice %arg8[%dma_wait3A_272, %dma_wait3A_279] : memref<2x4096xf32, #tpu.memory_space<vmem>> -> memref<1x4096xf32, #tpu.memory_space<vmem>>
    %dma_wait3A_281 = tpu.memref_squeeze %dma_wait3A_280 : memref<1x4096xf32, #tpu.memory_space<vmem>> -> memref<4096xf32, #tpu.memory_space<vmem>>
    %dma_wait3A_282 = arith.constant 12288 : i32
    %dma_wait3A_283 = tpu.memref_slice %arg2[%add3A_156, %dma_wait3A_282] : memref<64x16384xf32, #tpu.memory_space<hbm>> -> memref<1x4096xf32, #tpu.memory_space<hbm>>
    %dma_wait3A_284 = tpu.memref_squeeze %dma_wait3A_283 : memref<1x4096xf32, #tpu.memory_space<hbm>> -> memref<4096xf32, #tpu.memory_space<hbm>>
    tpu.wait_dma2 semaphore(%arg13 : memref<!tpu.dma_semaphore, #tpu.memory_space<semaphore_mem>>) src(%dma_wait3A_284 : memref<4096xf32, #tpu.memory_space<hbm>>) dst(%dma_wait3A_281 : memref<4096xf32, #tpu.memory_space<vmem>>)
    %scan3A_285 = arith.constant 0 : i32
    %scan3A_286 = arith.constant 64 : i32
    %scan3A_287 = arith.addi %scan3A_285, %scan3A_286 : i32
    %scan3A_288 = arith.constant 1 : i32
    %scan3A_289:4 = scf.for %scan3A_295 = %scan3A_285 to %scan3A_287 step %scan3A_288 iter_args(%scan3A_296 = %scan3A_270#0, %scan3A_297 = %scan3A_270#1, %scan3A_298 = %scan3A_270#2, %scan3A_299 = %scan3A_270#3) -> (vector<16xf32>, vector<16xf32>, vector<16xf32>, vector<16xf32>)  : i32 {
      %mul3A_300 = arith.constant 64 : i32
      %mul3A_301 = arith.muli %scan3A_295, %mul3A_300 : i32
      %add3A_302 = arith.constant 0 : i32
      %add3A_303 = arith.addi %mul3A_301, %add3A_302 : i32
      %add3A_304 = arith.constant 12288 : i32
      %add3A_305 = arith.addi %add3A_304, %add3A_303 : i32
      %get3A = arith.index_cast %add3A_305 : i32 to index
      %get3A_306 = tpu.vector_load %arg7[%get3A] {strides = array<i32>} : memref<16384xi32, #tpu.memory_space<vmem>>, vector<16xi32>,
      %get3A_307 = arith.constant 1 : i32
      %get3A_308 = arith.index_cast %get3A_307 : i32 to index
      %get3A_309 = arith.index_cast %add3A_303 : i32 to index
      %get3A_310 = tpu.vector_load %arg8[%get3A_308, %get3A_309] {strides = array<i32>} : memref<2x4096xf32, #tpu.memory_space<vmem>>, vector<16xf32>,
      %gather3A = tpu.vector_load_idx %arg6[%get3A_306] : memref<100000xf32, #tpu.memory_space<vmem>>[vector<16xi32>], vector<16xf32>,
      %sub3A = arith.subf %get3A_310, %gather3A : vector<16xf32>
      %mul3A_311 = arith.mulf %sub3A, %sub3A : vector<16xf32>
      %add3A_312 = arith.addf %scan3A_296, %mul3A_311 : vector<16xf32>
      %mul3A_313 = arith.constant 64 : i32
      %mul3A_314 = arith.muli %scan3A_295, %mul3A_313 : i32
      %add3A_315 = arith.constant 16 : i32
      %add3A_316 = arith.addi %mul3A_314, %add3A_315 : i32
      %add3A_317 = arith.constant 12288 : i32
      %add3A_318 = arith.addi %add3A_317, %add3A_316 : i32
      %get3A_319 = arith.index_cast %add3A_318 : i32 to index
      %get3A_320 = tpu.vector_load %arg7[%get3A_319] {strides = array<i32>} : memref<16384xi32, #tpu.memory_space<vmem>>, vector<16xi32>,
      %get3A_321 = arith.constant 1 : i32
      %get3A_322 = arith.index_cast %get3A_321 : i32 to index
      %get3A_323 = arith.index_cast %add3A_316 : i32 to index
      %get3A_324 = tpu.vector_load %arg8[%get3A_322, %get3A_323] {strides = array<i32>} : memref<2x4096xf32, #tpu.memory_space<vmem>>, vector<16xf32>,
      %gather3A_325 = tpu.vector_load_idx %arg6[%get3A_320] : memref<100000xf32, #tpu.memory_space<vmem>>[vector<16xi32>], vector<16xf32>,
      %sub3A_326 = arith.subf %get3A_324, %gather3A_325 : vector<16xf32>
      %mul3A_327 = arith.mulf %sub3A_326, %sub3A_326 : vector<16xf32>
      %add3A_328 = arith.addf %scan3A_297, %mul3A_327 : vector<16xf32>
      %mul3A_329 = arith.constant 64 : i32
      %mul3A_330 = arith.muli %scan3A_295, %mul3A_329 : i32
      %add3A_331 = arith.constant 32 : i32
      %add3A_332 = arith.addi %mul3A_330, %add3A_331 : i32
      %add3A_333 = arith.constant 12288 : i32
      %add3A_334 = arith.addi %add3A_333, %add3A_332 : i32
      %get3A_335 = arith.index_cast %add3A_334 : i32 to index
      %get3A_336 = tpu.vector_load %arg7[%get3A_335] {strides = array<i32>} : memref<16384xi32, #tpu.memory_space<vmem>>, vector<16xi32>,
      %get3A_337 = arith.constant 1 : i32
      %get3A_338 = arith.index_cast %get3A_337 : i32 to index
      %get3A_339 = arith.index_cast %add3A_332 : i32 to index
      %get3A_340 = tpu.vector_load %arg8[%get3A_338, %get3A_339] {strides = array<i32>} : memref<2x4096xf32, #tpu.memory_space<vmem>>, vector<16xf32>,
      %gather3A_341 = tpu.vector_load_idx %arg6[%get3A_336] : memref<100000xf32, #tpu.memory_space<vmem>>[vector<16xi32>], vector<16xf32>,
      %sub3A_342 = arith.subf %get3A_340, %gather3A_341 : vector<16xf32>
      %mul3A_343 = arith.mulf %sub3A_342, %sub3A_342 : vector<16xf32>
      %add3A_344 = arith.addf %scan3A_298, %mul3A_343 : vector<16xf32>
      %mul3A_345 = arith.constant 64 : i32
      %mul3A_346 = arith.muli %scan3A_295, %mul3A_345 : i32
      %add3A_347 = arith.constant 48 : i32
      %add3A_348 = arith.addi %mul3A_346, %add3A_347 : i32
      %add3A_349 = arith.constant 12288 : i32
      %add3A_350 = arith.addi %add3A_349, %add3A_348 : i32
      %get3A_351 = arith.index_cast %add3A_350 : i32 to index
      %get3A_352 = tpu.vector_load %arg7[%get3A_351] {strides = array<i32>} : memref<16384xi32, #tpu.memory_space<vmem>>, vector<16xi32>,
      %get3A_353 = arith.constant 1 : i32
      %get3A_354 = arith.index_cast %get3A_353 : i32 to index
      %get3A_355 = arith.index_cast %add3A_348 : i32 to index
      %get3A_356 = tpu.vector_load %arg8[%get3A_354, %get3A_355] {strides = array<i32>} : memref<2x4096xf32, #tpu.memory_space<vmem>>, vector<16xf32>,
      %gather3A_357 = tpu.vector_load_idx %arg6[%get3A_352] : memref<100000xf32, #tpu.memory_space<vmem>>[vector<16xi32>], vector<16xf32>,
      %sub3A_358 = arith.subf %get3A_356, %gather3A_357 : vector<16xf32>
      %mul3A_359 = arith.mulf %sub3A_358, %sub3A_358 : vector<16xf32>
      %add3A_360 = arith.addf %scan3A_299, %mul3A_359 : vector<16xf32>
      scf.yield %add3A_312, %add3A_328, %add3A_344, %add3A_360 : vector<16xf32>, vector<16xf32>, vector<16xf32>, vector<16xf32>
    }
    %scan3A_290 = arith.constant 64 : i32
    %add3A_291 = arith.addf %scan3A_289#0, %scan3A_289#1 : vector<16xf32>
    %add3A_292 = arith.addf %add3A_291, %scan3A_289#2 : vector<16xf32>
    %add3A_293 = arith.addf %add3A_292, %scan3A_289#3 : vector<16xf32>
    %swap3A = arith.constant 0 : index
    %swap3A_294 = tpu.vector_load %arg9[%swap3A] {strides = array<i32>} : memref<16xf32, #tpu.memory_space<vmem>>, vector<16xf32>,
    tpu.vector_store %arg9[%swap3A], %add3A_293 {strides = array<i32>} : memref<16xf32, #tpu.memory_space<vmem>>, vector<16xf32>,
    "tpu.region"() ({
      %run_scoped3A = tpu.sem_alloc : memref<!tpu.dma_semaphore, #tpu.memory_space<semaphore_mem>>
      %dma_start3A_295 = arith.constant 0 : i32
      %dma_start3A_296 = tpu.memref_slice %arg5[%add3A, %dma_start3A_295] : memref<32x16xf32, #tpu.memory_space<hbm>> -> memref<1x16xf32, #tpu.memory_space<hbm>>
      %dma_start3A_297 = tpu.memref_squeeze %dma_start3A_296 : memref<1x16xf32, #tpu.memory_space<hbm>> -> memref<16xf32, #tpu.memory_space<hbm>>
      %dma_start3A_298 = arith.constant 0 : i32
      %dma_start3A_299 = tpu.memref_slice %arg5[%add3A, %dma_start3A_298] : memref<32x16xf32, #tpu.memory_space<hbm>> -> memref<1x16xf32, #tpu.memory_space<hbm>>
      %dma_start3A_300 = tpu.memref_squeeze %dma_start3A_299 : memref<1x16xf32, #tpu.memory_space<hbm>> -> memref<16xf32, #tpu.memory_space<hbm>>
      tpu.enqueue_dma source(%arg9 : memref<16xf32, #tpu.memory_space<vmem>>) target(%dma_start3A_300 : memref<16xf32, #tpu.memory_space<hbm>>) target_semaphore(%run_scoped3A : memref<!tpu.dma_semaphore, #tpu.memory_space<semaphore_mem>>)
      %dma_wait3A_301 = arith.constant 0 : i32
      %dma_wait3A_302 = tpu.memref_slice %arg5[%add3A, %dma_wait3A_301] : memref<32x16xf32, #tpu.memory_space<hbm>> -> memref<1x16xf32, #tpu.memory_space<hbm>>
      %dma_wait3A_303 = tpu.memref_squeeze %dma_wait3A_302 : memref<1x16xf32, #tpu.memory_space<hbm>> -> memref<16xf32, #tpu.memory_space<hbm>>
      %dma_wait3A_304 = arith.constant 0 : i32
      %dma_wait3A_305 = tpu.memref_slice %arg5[%add3A, %dma_wait3A_304] : memref<32x16xf32, #tpu.memory_space<hbm>> -> memref<1x16xf32, #tpu.memory_space<hbm>>
      %dma_wait3A_306 = tpu.memref_squeeze %dma_wait3A_305 : memref<1x16xf32, #tpu.memory_space<hbm>> -> memref<16xf32, #tpu.memory_space<hbm>>
      tpu.wait_dma2 semaphore(%run_scoped3A : memref<!tpu.dma_semaphore, #tpu.memory_space<semaphore_mem>>) src(%arg9 : memref<16xf32, #tpu.memory_space<vmem>>) dst(%dma_wait3A_306 : memref<16xf32, #tpu.memory_space<hbm>>)
      tpu.yield
    }) : () -> ()
    return
  }
}

</mosaic_0001>

<sc_bundles>
// kernel: kernel.3.cloned.1.call-start
scs
__scs_entry_jumppad:
0x0: {  	(pc) =	sbr.rel $0x88, $3  }
0x1: {  	(tag) =	ssettag $0x0;
	lr =	simm.s32 $0x1  }
0x2: {  	[smem:$0x3F9E] =	sst lr;
	_ =	strace $0xD0000000  }
0x3: {  	_ = 	snop  }
0x4: {  	_ = 	snop  }
0x5: {  	_ = 	snop  }
0x6: {  	_ = 	snop  }
0x7: {  	_ = 	snop  }
__scs_overlays_trampoline_lowered:
0x8: {  	[smem:$0x3FAD] =	sst s0  }
0x9: {  	[smem:$0x3FAE] =	sst s1  }
0xa: {  	[smem:$0x3FAF] =	sst s2  }
0xb: {  	[smem:$0x3FB0] =	sst s3  }
0xc: {  	[smem:$0x3FB1] =	sst s4  }
0xd: {  	[smem:$0x3FB2] =	sst s5  }
0xe: {  	[smem:$0x3FB3] =	sst s6  }
0xf: {  	[smem:$0x3FB4] =	sst s7  }
0x10: {  	[smem:$0x3FB5] =	sst s8  }
0x11: {  	[smem:$0x3FB6] =	sst s9;
	s0 =	simm.s32 @!p0 $0x0  }
0x12: {  	s1 =	sld [smem:$0x3F9C];
	s0 =	simm.s32 @p0 $0x1  }
0x13: {  	[smem:$0x3FB7] =	sst s0;
	s0 =	simm.s32 @!p1 $0x0  }
0x14: {  	s2 =	sld [smem:$0x3F9B];
	s0 =	simm.s32 @p1 $0x1  }
0x15: {  	[smem:$0x3FB8] =	sst s0;
	s0 =	simm.s32 @!p2 $0x0  }
0x16: {  	s3 =	sld [smem:$0x3FDB];
	s0 =	simm.s32 @p2 $0x1  }
0x17: {  	s4 =	simm.s32 $0x1BF5;
	[smem:$0x3FBA] =	sst s0  }
0x18: {  	s0 =	sld [smem:$0x3F9D];
	_ =	swait.ge [sflag:s4], $0x0  }
0x19: {  	s7 =	sld [smem:$0x3F9E]  }
0x1a: {  	s8 =	sadd.s32 $0xFFFFE003, lr  }
0x1b: {  	s9 =	sadd.s32 $0xFFFFFEF7, lr;
	s5 =	simm.s32 $0xFFFFFFFF;
	p2 =	slt.u32 s8, $0xFFFFF086  }
0x1c: {  	p1 =	slt.u32 s9, $0xF7A;
	s5 =	simm.s32 @!p2 $0x0  }
0x1d: {  	s5 =	simm.s32 @p1 $0x1;
	p0 =	seq.s32 s7, s2  }
0x1e: {  	s7 =	smul.u32 @!p0 $0xF7A, s2;
	p2 =	seq.s32 @!p0 s5, $0x0  }
0x1f: {  	s9 =	smul.u32 $0xF7A, s1;
	s8 =	simm.s32 @!p0 $0x1BF5;
	p2 =	por !p2, p0  }
0x20: {  	[sflag:s8] =	ssyncset.s32 @!p0 $0xFFFFF086;
	s6 =	sadd.s32 @!p0 s3, s7;
	s7 =	simm.s32 @!p0 $0x108  }
0x21: {  	s3 =	sadd.s32 s3, s9;
	s6 =	sadd.s32 @!p0 $0x88, s6;
	s7 =	simm.s32 @p2 $0x1082  }
0x22: {  	[simem:s7], [sflag:s8] =	dma.local @!p0 [hbm:s6], $0xF7A  }
0x23: {  	s9 =	sor.u32 $0xD0000000, s2;
	s6 =	simm.s32 $0x108;
	_ =	swait.ge @!p0 [sflag:s8], $0x0  }
0x24: {  	s3 =	sadd.s32 $0x88, s3;
	s6 =	simm.s32 @!p1 $0x1082;
	[sflag:s4] =	ssyncset.s32 $0xFFFFF086  }
0x25: {  	[simem:s6], [sflag:s4] =	dma.local [hbm:s3], $0xF7A  }
0x26: {  	[smem:$0x3F9E] =	sst s1;
	(tag) =	ssettag s2;
	_ =	strace s9  }
0x27: {  	s1 =	sld [smem:$0x3FAE]  }
0x28: {  	s2 =	sld [smem:$0x3FAF]  }
0x29: {  	s4 =	sld [smem:$0x3FB1]  }
0x2a: {  	p0 =	seq.s32 s5, $0x0;
	s5 =	sld [smem:$0x3FB2]  }
0x2b: {  	s6 =	sld [smem:$0x3FB3]  }
0x2c: {  	s7 =	sld [smem:$0x3FB4]  }
0x2d: {  	s3 =	simm.s32 $0x108;
	s8 =	sld [smem:$0x3FB5]  }
0x2e: {  	s3 =	simm.s32 @!p0 $0x1082;
	s9 =	sld [smem:$0x3FB6]  }
0x2f: {  	lr =	sadd.s32 s0, s3;
	s0 =	sld [smem:$0x3FAD]  }
0x30: {  	s3 =	sld [smem:$0x3FB0]  }
0x31: {  	[smem:$0x3FB9] =	sst s10  }
0x32: {  	s10 =	sld [smem:$0x3FB7];
	_ =	sdelay $0x3  }
0x33: {  	p0 =	seq.s32 s10, $0x1;
	s10 =	sld [smem:$0x3FB9];
	_ =	sdelay $0x3  }
0x34: {  	[smem:$0x3FB9] =	sst s10  }
0x35: {  	s10 =	sld [smem:$0x3FB8];
	_ =	sdelay $0x3  }
0x36: {  	p1 =	seq.s32 s10, $0x1;
	s10 =	sld [smem:$0x3FB9];
	_ =	sdelay $0x3  }
0x37: {  	[smem:$0x3FB9] =	sst s10  }
0x38: {  	s10 =	sld [smem:$0x3FBA]  }
0x39: {  	_ = 	snop;
	(pc) =	sbr.ind lr, $3  }
0x3a: {  	_ = 	snop  }
0x3b: {  	_ = 	snop  }
0x3c: {  	p2 =	seq.s32 s10, $0x1;
	s10 =	sld [smem:$0x3FB9]  }
0x3d: {  	_ =	shalt  }
0x3e: {  	_ =	shalt  }
0x3f: {  	_ =	shalt  }
0x40: {  	_ =	shalt  }
0x41: {  	_ =	shalt  }
0x42: {  	_ =	shalt  }
0x43: {  	_ =	shalt  }
0x44: {  	_ =	shalt  }
0x45: {  	_ =	shalt  }
0x46: {  	_ =	shalt  }
0x47: {  	_ =	shalt  }
0x48: {  	_ =	shalt  }
0x49: {  	_ =	shalt  }
0x4a: {  	_ =	shalt  }
0x4b: {  	_ =	shalt  }
0x4c: {  	_ =	shalt  }
0x4d: {  	_ =	shalt  }
0x4e: {  	_ =	shalt  }
0x4f: {  	_ =	shalt  }
0x50: {  	_ =	shalt  }
0x51: {  	_ =	shalt  }
0x52: {  	_ =	shalt  }
0x53: {  	_ =	shalt  }
0x54: {  	_ =	shalt  }
0x55: {  	_ =	shalt  }
0x56: {  	_ =	shalt  }
0x57: {  	_ =	shalt  }
0x58: {  	_ =	shalt  }
0x59: {  	_ =	shalt  }
0x5a: {  	_ =	shalt  }
0x5b: {  	_ =	shalt  }
0x5c: {  	_ =	shalt  }
0x5d: {  	_ =	shalt  }
0x5e: {  	_ =	shalt  }
0x5f: {  	_ =	shalt  }
0x60: {  	_ =	shalt  }
0x61: {  	_ =	shalt  }
0x62: {  	_ =	shalt  }
0x63: {  	_ =	shalt  }
0x64: {  	_ =	shalt  }
0x65: {  	_ =	shalt  }
0x66: {  	_ =	shalt  }
0x67: {  	_ =	shalt  }
0x68: {  	_ =	shalt  }
0x69: {  	_ =	shalt  }
0x6a: {  	_ =	shalt  }
0x6b: {  	_ =	shalt  }
0x6c: {  	_ =	shalt  }
0x6d: {  	_ =	shalt  }
0x6e: {  	_ =	shalt  }
0x6f: {  	_ =	shalt  }
0x70: {  	_ =	shalt  }
0x71: {  	_ =	shalt  }
0x72: {  	_ =	shalt  }
0x73: {  	_ =	shalt  }
0x74: {  	_ =	shalt  }
0x75: {  	_ =	shalt  }
0x76: {  	_ =	shalt  }
0x77: {  	_ =	shalt  }
0x78: {  	_ =	shalt  }
0x79: {  	_ =	shalt  }
0x7a: {  	_ =	shalt  }
0x7b: {  	_ =	shalt  }
0x7c: {  	_ =	shalt  }
0x7d: {  	_ =	shalt  }
0x7e: {  	_ =	shalt  }
0x7f: {  	_ =	shalt  }
0x80: {  	_ =	shalt  }
0x81: {  	_ =	shalt  }
0x82: {  	_ =	shalt  }
0x83: {  	_ =	shalt  }
0x84: {  	_ =	shalt  }
0x85: {  	_ =	shalt  }
0x86: {  	_ =	shalt  }
0x87: {  	_ =	shalt  }
.Lfunc_end0:
.L_simem_size_0:
called_computation_lowered:
.L_overlay_start_0:
0x88: {  	s2 =	sld [smem:$0x3FD9]  }
0x89: {  	s3 =	sld [smem:$0x3FFE];
	_ =	sdelay $0x1  }
0x8a: {  	s1 =	srdreg.scid  }
0x8b: {  	s0 =	sand.u32 $0x1, s1  }
0x8c: {  	s17 =	sshll.u32 s0, $0xA;
	s2 =	sadd.s32 s3, s2  }
0x8d: {  	s2 =	sadd.s32 s2, s17  }
0x8e: {  	[smem:$0x3FC5] =	sst s2  }
0x8f: {  	_ = 	snop  }
0x90: {  	s2 =	sld [smem:$0x3FC9]  }
0x91: {  	s18 =	sld [smem:$0x3FC8]  }
0x92: {  	s4 =	sld [smem:$0x3FC7];
	(tm) =	ssettm $0x1  }
0x93: {  	s5 =	sld [smem:$0x3FFB];
	_ =	sdelay $0x3  }
0x94: {  	_ =	strace s5  }
0x95: {  	s5 =	sld [smem:$0x3FFC];
	_ =	sdelay $0x3  }
0x96: {  	_ =	strace s5  }
0x97: {  	s5 =	sld [smem:$0x3FFD];
	_ =	sdelay $0x3  }
0x98: {  	_ =	strace s5  }
0x99: {  	_ =	strace $0x8FFFFFFF  }
0x9a: {  	s19 =	sld [smem:$0x3FDB];
	_ =	sdelay $0x1  }
0x9b: {  	s6 =	simm.s32 $_scs_section_size  }
0x9c: {  	s7 =	simm.s32 $_size__tile_overlayer_lowered;
	s8 =	simm.s32 $_tile_overlayer_lowered  }
0x9d: {  	s22 =	simm.s32 $0x1BFF;
	s21 =	sshll.u32 s8, $0x1;
	s5 =	sadd.s32 s6, s19  }
0x9e: {  	s9 =	simm.s32 $0x0;
	s20 =	sshll.u32 s7, $0x1;
	s7 =	sadd.s32 s21, s5  }
0x9f: {  	[timem:s9], [sflag:s22] =	dma.local [hbm:s7], s20  }
0xa0: {  	_ =	swait.ge [sflag:s22], s20  }
0xa1: {  	s6 =	ssub.s32 $0x0, s20;
	[sflag:s22] =	ssyncset.done $0x0  }
0xa2: {  	[sflag:s22] =	ssyncadd.s32 s6;
	_ =	sdelay $0x1  }
0xa3: {  	s23 =	simm.s32 $0x1B8B  }
0xa4: {  	_ =	swait.ge [sflag:s23], $0x1  }
0xa5: {  	[sflag:s23] =	ssyncset.done $0x0  }
0xa6: {  	s25 =	simm.s32 $0x1B8E;
	s24 =	sld [smem:$0x3FFE];
	[sflag:s23] =	ssyncadd.s32 $0xFFFFFFFF  }
0xa7: {  	s26 =	simm.s32 $execute0_lowered;
	[smem:$0x3FD2] =	sst s25  }
0xa8: {  	s7 =	sshll.u32 s26, $0x1;
	_ =	strace $0x80000046;
	[dreg:$0x1] =	wrdreg $0xFFFFFFFF  }
0xa9: {  	s28 =	simm.s32 $_size_execute0_lowered;
	s5 =	sadd.s32 s5, s7;
	[dreg:$0x0] =	wrdreg $0x0  }
0xaa: {  	s7 =	sshll.u32 s28, $0x1;
	[dreg:$0x2] =	wrdreg s5  }
0xab: {  	[dreg:$0x3] =	wrdreg s7  }
0xac: {  	[dreg:$0x4] =	wrdreg $0xC0  }
0xad: {  	_ =	task [dreg:s9], $0x5FFFF  }
0xae: {  	[dreg:$0x1] =	wrdreg $0xFFFFFFFF  }
0xaf: {  	[dreg:$0x0] =	wrdreg $0x60  }
0xb0: {  	[dreg:$0x2] =	wrdreg s2  }
0xb1: {  	[dreg:$0x3] =	wrdreg s18  }
0xb2: {  	[dreg:$0x4] =	wrdreg s4  }
0xb3: {  	[dreg:$0x5] =	wrdreg s24  }
0xb4: {  	[dreg:$0x6] =	wrdreg $0x9  }
0xb5: {  	_ =	task.clear_ibuf [dreg:s9], $0x7FFFF;
	_ =	strace $0x90000046  }
0xb6: {  	s29 =	simm.s32 $0x9;
	_ =	strace $0x80000048  }
0xb7: {  	_ =	swait.ge [sflag:s29], $0x1  }
0xb8: {  	[sflag:s29] =	ssyncadd.s32 $0xFFFFFFFF  }
0xb9: {  	_ =	strace $0x90000048  }
0xba: {  	_ =	sfence  }
0xbb: {  	s30 =	sld [smem:$0x0];
	_ =	sdelay $0x2  }
0xbc: {  	s31 =	sshll.u32 s1, $0xD;
	s1 =	sshrl.u32 s1, $0x2  }
0xbd: {  	s3 =	sand.u32 $0x4000, s31;
	s1 =	sadd.s32 s1, s30  }
0xbe: {  	s0 =	sor.u32 s3, s0;
	s1 =	sshll.u32 s1, $0x11  }
0xbf: {  	s0 =	sor.u32 s1, s0  }
0xc0: {  	s0 =	sadd.s32 $0x8F2B, s0  }
0xc1: {  	[sflag:s0] =	ssyncadd.remote.s32 $0x1  }
0xc2: {  	_ =	sfence.sel $0xFFFF  }
0xc3: {  	[dreg:$0x0] =	wrdreg $0xFFFFFFFF;
	(pc) =	sbr.abs _section_cstart, $3  }
0xc4: {  	[dreg:$0x1] =	wrdreg $0xFFFFFFFF  }
0xc5: {  	_ =	task.clear_ibuf [dreg:s9], $0x2FFFF;
	_ =	strace $0x9FFFFFFF  }
0xc6: {  	(tm) =	ssettm $0x7FFFFFFF  }
0xc7: {  	_ =	shalt  }
tec
execute0_lowered:
.L_overlay_start_1:
0x0: {  	(tag) =	ssettag $0x1  }
0x1: {  	s0 =	rddreg [dreg:$0x0]  }
0x2: {  	s1 =	rddreg [dreg:$0x2]  }
0x3: {  	s2 =	rddreg [dreg:$0x3];
	s3 =	srdreg.scid  }
0x4: {  	s6 =	stileid.u32;
	s19 =	simm.s32 $0x2;
	s20 =	simm.s32 $0x1  }
0x5: {  	s21 =	simm.s32 $0x3;
	s22 =	simm.s32 $0x4;
	s4 =	sand.u32 $0x1, s3  }
0x6: {  	s5 =	sshll.u32 s6, $0x1;
	s3 =	simm.s32 $0x0;
	s24 =	sshrl.u32 s6, $0x1  }
0x7: {  	s12 =	sadd.s32 $0x1000, s0;
	s13 =	sadd.s32 $0x2000, s0;
	s16 =	sadd.s32 $0x3000, s0  }
0x8: {  	s14 =	sor.u32 s4, s5;
	[smem:$0x7FF] =	sst s3;
	s8 =	smul.u32 $0xC3800, s24  }
0x9: {  	s4 =	ssub.s32 $0x2, s4;
	s10 =	sshll.u32 s24, $0x11;
	s24 =	simm.s32 $0x5  }
0xa: {  	s25 =	sshll.u32 s14, $0x8;
	_ =	strace $0x80000047;
	s26 =	sshrl.u32 s4, $0x1  }
0xb: {  	s31 =	sshll.u32 s14, $0x4;
	s9 =	sand.u32 $0x300, s25;
	s15 =	ssub.s32 s4, s26  }
0xc: {  	s14 =	sadd.s32 s2, s31;
	s25 =	simm.s32 $0x0;
	s6 =	sor.u32 s8, s9  }
0xd: {  	s7 =	sor.u32 s10, s9;
	s9 =	sor.u32 $0x80, s9;
	s15 =	smax.u32 s15, $0x1  }
0xe: {  	s6 =	sshrl.u32 s6, $0x3;
	s11 =	sshrl.u32 s7, $0x3;
	s17 =	sor.u32 s8, s9  }
0xf: {  	s9 =	sor.u32 s10, s9;
	s28 =	sadd.s32 s1, s6;
	s5 =	sadd.s32 s0, s11  }
0x10: {  	s6 =	sadd.s32 s11, s12;
	s7 =	sadd.s32 s11, s13;
	s8 =	sadd.s32 s11, s16  }
0x11: {  	s29 =	sshrl.u32 s17, $0x3;
	s30 =	sshrl.u32 s9, $0x3;
	[dreg:$0x5] =	wrdreg s28  }
0x12: {  	s1 =	sadd.s32 s1, s29;
	s10 =	sadd.s32 s0, s30;
	s11 =	sadd.s32 s30, s12  }
0x13: {  	s12 =	sadd.s32 s30, s13;
	s13 =	sadd.s32 s30, s16;
	[dreg:$0x6] =	wrdreg s1  }
.LBB2_1:
0x14: {  	s0 =	rddreg [dreg:$0x1];
	s1 =	simm.s32 $0x18700  }
0x15: {  	[tilespmem:s1], [sflag:$0x2] =	stream.linear.gather [hbm4b:s0+s3], $0x4000, $0x38;
	[tilespmem:$0x1E780] =	vst v63  }
0x16: {  	s30 =	rddreg [dreg:$0x5];
	s31 =	simm.s32 $0x80;
	s2 =	simm.s32 $0x400  }
0x17: {  	[tilespmem:s3], [sflag:$0x1] =	stream.strided.gather [hbm4b:s30+s31], $0x18700, s2, s31, $0x38;
	[tilespmem:$0x1E780] =	vst v63  }
0x18: {  	_ =	swait.ge [sflag:s19], $0x4000  }
0x19: {  	s16 =	sadd.s32 $0x0, s5;
	s0 =	simm.s32 $0x1C700;
	[sflag:s19] =	ssyncset.done $0x0  }
0x1a: {  	s1 =	simm.s32 $0x80;
	s2 =	simm.s32 $0x1C800;
	[sflag:s19] =	ssyncadd.s32 $0xFFFFC000  }
.LBB2_2:
0x1b: {  	[tilespmem:s0], [sflag:$0x3] =	stream.linear.gather [hbm4b:s16+s3], $0x80, $0x38;
	[tilespmem:$0x1E780] =	vst v63  }
0x1c: {  	s16 =	smov.u32 s1;
	s0 =	smov.u32 s2;
	p0 =	sne.s32 s1, $0xF80  }
.Ltmp0:
0x1d: {  	s1 =	sadd.s32 $0x80, s1;
	(pc) =	sbr.rel @p0 .LBB2_2-.Ltmp0, $2  }
0x1e: {  	_ =	sdelay $0x2  }
0x1f: {  	s2 =	sadd.s32 $0x100, s2;
	s16 =	sadd.s32 s16, s5  }
0x20: {  	[tilespmem:s0], [sflag:$0x3] =	stream.linear.gather [hbm4b:s16+s3], $0x80, $0x38;
	[tilespmem:$0x1E780] =	vst v63  }
0x21: {  	_ =	swait.ge [sflag:s20], $0x18700  }
0x22: {  	[sflag:s20] =	ssyncset.done $0x0  }
0x23: {  	[sflag:s20] =	ssyncadd.s32 $0xFFFE7900  }
0x24: {  	_ =	swait.ge [sflag:s21], $0x1000  }
0x25: {  	s0 =	simm.s32 $0x0;
	[sflag:s21] =	ssyncset.done $0x0  }
0x26: {  	s1 =	simm.s32 $0x1C780;
	s2 =	simm.s32 $0x0;
	[sflag:s21] =	ssyncadd.s32 $0xFFFFF000  }
.LBB2_4:
0x27: {  	p0 =	sne.s32 s2, $0xF80  }
.Ltmp1:
0x28: {  	_ = 	snop;
	(pc) =	sbr.rel @p0 .LBB2_4-.Ltmp1, $4  }
0x29: {  	_ = 	snop  }
0x2a: {  	s16 =	sadd.s32 s2, s6  }
0x2b: {  	[tilespmem:s1], [sflag:$0x4] =	stream.linear.gather [hbm4b:s16+s0], $0x80, $0x38;
	[tilespmem:$0x1E780] =	vst v63  }
0x2c: {  	s2 =	sadd.s32 $0x80, s2;
	s1 =	sadd.s32 $0x100, s1  }
0x2d: {  	s1 =	sand.u32 $0x40, s0;
	s2 =	sand.u32 $0xF80, s0  }
0x2e: {  	s16 =	simm.s32 $0x18700;
	s2 =	sadd.s32 $0x18700, s2;
	s26 =	sor.u32 $0x30, s1  }
0x2f: {  	v0 =	vld [tilespmem:s16+$0x0];
	s28 =	sor.u32 $0x10, s1;
	s18 =	sor.u32 $0x20, s1;
	s17 =	sor.u32 s26, s2  }
0x30: {  	s29 =	sor.u32 s28, s2;
	s2 =	sor.u32 s18, s2;
	v1 =	vld [tilespmem:s17+$0x0]  }
0x31: {  	s23 =	simm.s32 $0x18740;
	v3 =	vld [tilespmem:s2+$0x0];
	s2 =	sand.u32 $0x1F00, s0  }
0x32: {  	v4 =	vld [tilespmem:s23+$0x0];
	s0 =	sadd.s32 $0x1C700, s2  }
0x33: {  	s4 =	simm.s32 $0x40;
	v2 =	vld [tilespmem:s29+$0x0];
	s26 =	sor.u32 s26, s0  }
0x34: {  	s29 =	sand.u32 $0x40, s4;
	s2 =	sand.u32 $0xF80, s4;
	s1 =	sor.u32 s1, s0;
	v5 =	vld [tilespmem:s26+$0x0]  }
0x35: {  	s31 =	sor.u32 $0x10, s29;
	s2 =	sadd.s32 $0x18700, s2;
	s9 =	sor.u32 s28, s0;
	v12 =	vld [tilespmem:s1+$0x0]  }
0x36: {  	s4 =	sor.u32 s31, s2;
	v14 =	vld [tilespmem:s9+$0x0]  }
0x37: {  	v7 =	vld [tilespmem:s4+$0x0]  }
0x38: {  	v11 =	vld.idx.msk [tilespmem:v0+s3+$0x0], $0xffff  }
0x39: {  	s23 =	sor.u32 $0x30, s29;
	v1 =	vld.idx.msk [tilespmem:v1+s3+$0x0], $0xffff  }
0x3a: {  	s30 =	sor.u32 s23, s2;
	s26 =	sor.u32 $0x20, s29;
	v0 =	vld.idx.msk [tilespmem:v3+s3+$0x0], $0xffff  }
0x3b: {  	s2 =	sor.u32 s26, s2;
	v3 =	vld [tilespmem:s30+$0x0]  }
0x3c: {  	v6 =	vld [tilespmem:s2+$0x0]  }
0x3d: {  	s28 =	simm.s32 $0x80;
	v13 =	vld.idx.msk [tilespmem:v2+s3+$0x0], $0xffff  }
0x3e: {  	s0 =	sor.u32 s18, s0;
	s17 =	sand.u32 $0x1F00, s28  }
0x3f: {  	v8 =	vld [tilespmem:s0+$0x0];
	s2 =	sadd.s32 $0x1C700, s17;
	s30 =	simm.s32 $0x18780;
	v1 =	vsub.f32 v5, v1  }
0x40: {  	s23 =	sor.u32 s23, s2;
	v10 =	vld [tilespmem:s30+$0x0]  }
0x41: {  	s18 =	simm.s32 $0x80;
	v12 =	vsub.f32 v12, v11;
	v11 =	vld [tilespmem:s23+$0x0];
	v1 =	vmul.f32 v1, v1  }
0x42: {  	s16 =	sand.u32 $0xF80, s18;
	s1 =	simm.s32 $0xC0;
	v2 =	vimm.f32 $0.0e+00;
	v5 =	vld.idx.msk [tilespmem:v4+s3+$0x0], $0xffff;
	v13 =	vsub.f32 v14, v13  }
0x43: {  	s0 =	sor.u32 s29, s2;
	s31 =	sor.u32 s31, s2;
	s29 =	sand.u32 $0x40, s18;
	v4 =	vimm.f32 $0.0e+00;
	v9 =	vld.idx.msk [tilespmem:v3+s3+$0x0], $0xffff;
	v3 =	vimm.f32 $0.0e+00;
	v1 =	vadd.f32 v1, v2  }
.LBB2_6:
0x44: {  	p0 =	sne.s32 s1, $0xFC0;
	s4 =	sadd.s32 $0x18700, s16;
	s16 =	sor.u32 $0x30, s29;
	v14 =	vld.idx.msk [tilespmem:v7+s3+$0x0], $0xffff;
	v7 =	vmul.f32 v12, v12;
	v8 =	vsub.f32 v8, v0  }
0x45: {  	s23 =	sor.u32 $0x10, s29;
	s17 =	sor.u32 $0x20, s29;
	s18 =	sor.u32 s16, s4;
	v0 =	vld.idx.msk [tilespmem:v6+s3+$0x0], $0xffff;
	v6 =	vmul.f32 v13, v13;
	v12 =	vmov v10  }
0x46: {  	s2 =	sor.u32 s26, s2;
	s9 =	sor.u32 s23, s4;
	s4 =	sor.u32 s17, s4;
	v13 =	vld [tilespmem:s18+$0x0];
	v2 =	vadd.f32 v7, v2;
	v8 =	vmul.f32 v8, v8  }
0x47: {  	s26 =	smov.u32 s17;
	v15 =	vmov v5;
	v7 =	vld [tilespmem:s9+$0x0];
	v3 =	vadd.f32 v6, v3  }
0x48: {  	v6 =	vld [tilespmem:s4+$0x0];
	v5 =	vsub.f32 v11, v9;
	v4 =	vadd.f32 v8, v4  }
0x49: {  	v11 =	vld [tilespmem:s0+$0x0]  }
0x4a: {  	v16 =	vld [tilespmem:s31+$0x0];
	v5 =	vmul.f32 v5, v5  }
.Ltmp2:
0x4b: {  	s30 =	sadd.s32 $0x40, s30;
	s28 =	sadd.s32 $0x80, s28;
	v8 =	vld [tilespmem:s2+$0x0];
	(pc) =	sbr.rel @p0 .LBB2_6-.Ltmp2, $4  }
0x4c: {  	s0 =	sand.u32 $0x1F00, s28;
	v10 =	vld [tilespmem:s30+$0x0];
	v1 =	vadd.f32 v5, v1  }
0x4d: {  	s2 =	sadd.s32 $0x1C700, s0;
	v5 =	vld.idx.msk [tilespmem:v12+s3+$0x0], $0xffff  }
0x4e: {  	s0 =	sor.u32 s29, s2;
	s31 =	sor.u32 s23, s2;
	s4 =	sor.u32 s16, s2;
	v9 =	vld.idx.msk [tilespmem:v13+s3+$0x0], $0xffff;
	v12 =	vsub.f32 v11, v15  }
0x4f: {  	s29 =	sand.u32 $0x40, s1;
	s16 =	sand.u32 $0xF80, s1;
	s1 =	sadd.s32 $0x40, s1;
	v11 =	vld [tilespmem:s4+$0x0];
	v13 =	vsub.f32 v16, v14  }
0x50: {  	_ =	sdelay $0x3  }
0x51: {  	v7 =	vld.idx.msk [tilespmem:v7+s3+$0x0], $0xffff  }
0x52: {  	v6 =	vld.idx.msk [tilespmem:v6+s3+$0x0], $0xffff  }
0x53: {  	v17 =	vld [tilespmem:s0+$0x0]  }
0x54: {  	s1 =	sadd.s32 $0x18700, s16;
	s4 =	sor.u32 $0x30, s29;
	s18 =	sor.u32 s26, s2;
	v18 =	vld [tilespmem:s31+$0x0]  }
0x55: {  	s16 =	sor.u32 $0x10, s29;
	s9 =	sor.u32 s4, s1;
	v19 =	vld [tilespmem:s18+$0x0]  }
0x56: {  	s23 =	sadd.s32 $0x80, s28;
	s17 =	sor.u32 s16, s1;
	v14 =	vld [tilespmem:s9+$0x0];
	s9 =	sor.u32 $0x20, s29  }
0x57: {  	s26 =	sand.u32 $0x1F00, s23;
	v15 =	vld [tilespmem:s17+$0x0];
	s1 =	sor.u32 s9, s1  }
0x58: {  	s0 =	sadd.s32 $0x1C700, s26;
	v16 =	vld [tilespmem:s1+$0x0]  }
0x59: {  	v10 =	vld.idx.msk [tilespmem:v10+s3+$0x0], $0xffff;
	s28 =	sor.u32 s4, s0  }
0x5a: {  	s30 =	sor.u32 s29, s0;
	v20 =	vld [tilespmem:s28+$0x0]  }
0x5b: {  	s31 =	sor.u32 s16, s0;
	v58 =	vld [tilespmem:s30+$0x0]  }
0x5c: {  	s0 =	sor.u32 s9, s0;
	v59 =	vld [tilespmem:s31+$0x0]  }
0x5d: {  	v0 =	vsub.f32 v8, v0;
	v60 =	vld [tilespmem:s0+$0x0]  }
0x5e: {  	v12 =	vmul.f32 v12, v12;
	v13 =	vmul.f32 v13, v13;
	v14 =	vld.idx.msk [tilespmem:v14+s3+$0x0], $0xffff  }
0x5f: {  	v0 =	vmul.f32 v0, v0;
	v9 =	vsub.f32 v11, v9;
	v5 =	vsub.f32 v17, v5;
	v15 =	vld.idx.msk [tilespmem:v15+s3+$0x0], $0xffff  }
0x60: {  	v2 =	vadd.f32 v12, v2;
	v3 =	vadd.f32 v13, v3;
	v57 =	vld.idx.msk [tilespmem:v16+s3+$0x0], $0xffff  }
0x61: {  	v0 =	vadd.f32 v0, v4;
	v9 =	vmul.f32 v9, v9;
	v4 =	vmul.f32 v5, v5  }
0x62: {  	v6 =	vsub.f32 v19, v6;
	v5 =	vsub.f32 v18, v7  }
0x63: {  	v1 =	vadd.f32 v9, v1;
	v2 =	vadd.f32 v4, v2  }
0x64: {  	v4 =	vmul.f32 v5, v5;
	v61 =	vsub.f32 v58, v10;
	v5 =	vsub.f32 v20, v14  }
0x65: {  	v6 =	vmul.f32 v6, v6;
	v62 =	vsub.f32 v59, v15;
	v8 =	vsub.f32 v60, v57  }
0x66: {  	v3 =	vadd.f32 v4, v3;
	v4 =	vmul.f32 v5, v5;
	v5 =	vmul.f32 v61, v61  }
0x67: {  	v6 =	vadd.f32 v6, v0;
	_ =	swait.ge [sflag:s22], $0x1000;
	v63 =	vmul.f32 v62, v62;
	v8 =	vmul.f32 v8, v8  }
0x68: {  	s26 =	simm.s32 $0x0;
	[sflag:s22] =	ssyncset.done $0x0;
	v0 =	vadd.f32 v4, v1;
	v2 =	vadd.f32 v5, v2  }
0x69: {  	s0 =	simm.s32 $0x1C700;
	s1 =	simm.s32 $0x0;
	[sflag:s22] =	ssyncadd.s32 $0xFFFFF000;
	v3 =	vadd.f32 v63, v3;
	v1 =	vadd.f32 v8, v6  }
.LBB2_8:
0x6a: {  	p0 =	sne.s32 s1, $0xF80  }
.Ltmp3:
0x6b: {  	_ = 	snop;
	(pc) =	sbr.rel @p0 .LBB2_8-.Ltmp3, $4  }
0x6c: {  	_ = 	snop  }
0x6d: {  	s2 =	sadd.s32 s1, s7  }
0x6e: {  	[tilespmem:s0], [sflag:$0x3] =	stream.linear.gather [hbm4b:s2+s26], $0x80, $0x38;
	[tilespmem:$0x1E780] =	vst v63  }
0x6f: {  	s1 =	sadd.s32 $0x80, s1;
	s0 =	sadd.s32 $0x100, s0  }
0x70: {  	s0 =	simm.s32 $0x19730  }
0x71: {  	v4 =	vld [tilespmem:s0+$0xFFFFFFE0]  }
0x72: {  	v5 =	vld [tilespmem:s0+$0xFFFFFFF0]  }
0x73: {  	s31 =	sand.u32 $0xFC0, s26;
	v10 =	vld [tilespmem:s0+$0x0]  }
0x74: {  	p0 =	por $0x0, $0x0;
	v11 =	vld [tilespmem:s31+$0x19700];
	s0 =	simm.s32 $0x1  }
0x75: {  	s28 =	simm.s32 $0x19770;
	s0 =	simm.s32 @!p0 $0x0  }
0x76: {  	v8 =	vld [tilespmem:s28+$0xFFFFFFE0];
	s0 =	sshll.u32 s0, $0x6  }
0x77: {  	v9 =	vld [tilespmem:s28+$0xFFFFFFF0];
	s0 =	sadd.s32 $0x0, s0  }
0x78: {  	v7 =	vld [tilespmem:s28+$0x0];
	s2 =	sor.u32 $0x90, s0  }
0x79: {  	v13 =	vld [tilespmem:s2+$0x1C700]  }
0x7a: {  	v6 =	vld.idx.msk [tilespmem:v4+s3+$0x0], $0xffff  }
0x7b: {  	v4 =	vld.idx.msk [tilespmem:v10+s3+$0x0], $0xffff  }
0x7c: {  	s1 =	sor.u32 $0x80, s0;
	v10 =	vld.idx.msk [tilespmem:v11+s3+$0x0], $0xffff  }
0x7d: {  	s9 =	sor.u32 $0xA0, s0;
	v11 =	vld [tilespmem:s1+$0x1C700]  }
0x7e: {  	s4 =	simm.s32 $0x40;
	v12 =	vld [tilespmem:s9+$0x1C700]  }
0x7f: {  	s2 =	sand.u32 $0xFC0, s4;
	v5 =	vld.idx.msk [tilespmem:v5+s3+$0x0], $0xffff;
	s1 =	sor.u32 $0xB0, s0;
	s0 =	simm.s32 $0x80  }
.LBB2_10:
0x80: {  	p1 =	sne.s32 s0, $0xFC0;
	v14 =	vld [tilespmem:s2+$0x19700]  }
0x81: {  	s28 =	sadd.s32 $0x40, s28;
	v15 =	vld [tilespmem:s1+$0x1C700]  }
0x82: {  	v16 =	vld [tilespmem:s28+$0xFFFFFFE0];
	v10 =	vsub.f32 v11, v10  }
0x83: {  	v11 =	vld [tilespmem:s28+$0xFFFFFFF0];
	v13 =	vsub.f32 v13, v6  }
0x84: {  	p0 =	por !p0, !p0;
	s1 =	simm.s32 $0x1;
	v17 =	vld [tilespmem:s28+$0x0];
	v10 =	vmul.f32 v10, v10;
	v12 =	vsub.f32 v12, v5  }
0x85: {  	s1 =	simm.s32 @!p0 $0x0;
	v6 =	vld.idx.msk [tilespmem:v8+s3+$0x0], $0xffff;
	v13 =	vmul.f32 v13, v13  }
0x86: {  	s26 =	sadd.s32 $0x80, s26;
	s1 =	sshll.u32 s1, $0x6;
	v5 =	vld.idx.msk [tilespmem:v9+s3+$0x0], $0xffff;
	v2 =	vadd.f32 v10, v2;
	v18 =	vmul.f32 v12, v12;
	v12 =	vsub.f32 v15, v4  }
.Ltmp4:
0x87: {  	s1 =	sadd.s32 s1, s26;
	v4 =	vld.idx.msk [tilespmem:v7+s3+$0x0], $0xffff;
	v3 =	vadd.f32 v13, v3;
	v8 =	vmov v16;
	(pc) =	sbr.rel @p1 .LBB2_10-.Ltmp4, $4  }
0x88: {  	s2 =	sor.u32 $0x80, s1;
	s4 =	sor.u32 $0x90, s1;
	s9 =	sor.u32 $0xA0, s1;
	v10 =	vld.idx.msk [tilespmem:v14+s3+$0x0], $0xffff;
	v1 =	vadd.f32 v18, v1;
	v12 =	vmul.f32 v12, v12;
	v9 =	vmov v11  }
0x89: {  	s1 =	sor.u32 $0xB0, s1;
	v11 =	vld [tilespmem:s2+$0x1C700];
	v7 =	vmov v17  }
0x8a: {  	v13 =	vld [tilespmem:s4+$0x1C700];
	v0 =	vadd.f32 v12, v0  }
0x8b: {  	s2 =	sand.u32 $0xFC0, s0;
	s0 =	sadd.s32 $0x40, s0;
	v12 =	vld [tilespmem:s9+$0x1C700]  }
0x8c: {  	_ =	sdelay $0x1  }
0x8d: {  	v14 =	vld [tilespmem:s2+$0x19700];
	p0 =	por !p0, !p0;
	s0 =	simm.s32 $0x1  }
0x8e: {  	v15 =	vld [tilespmem:s1+$0x1C700];
	s0 =	simm.s32 @!p0 $0x0  }
0x8f: {  	v8 =	vld.idx.msk [tilespmem:v8+s3+$0x0], $0xffff;
	s29 =	sadd.s32 $0x80, s26;
	s0 =	sshll.u32 s0, $0x6  }
0x90: {  	v9 =	vld.idx.msk [tilespmem:v9+s3+$0x0], $0xffff;
	s0 =	sadd.s32 s0, s29  }
0x91: {  	v7 =	vld.idx.msk [tilespmem:v7+s3+$0x0], $0xffff;
	s1 =	sor.u32 $0x80, s0  }
0x92: {  	s30 =	sor.u32 $0x90, s0;
	v16 =	vld [tilespmem:s1+$0x1C700]  }
0x93: {  	v6 =	vsub.f32 v13, v6;
	s31 =	sor.u32 $0xA0, s0;
	v62 =	vld [tilespmem:s30+$0x1C700]  }
0x94: {  	s0 =	sor.u32 $0xB0, s0;
	v63 =	vld [tilespmem:s31+$0x1C700]  }
0x95: {  	v5 =	vsub.f32 v12, v5;
	v17 =	vld [tilespmem:s0+$0x1C700];
	v6 =	vmul.f32 v6, v6  }
0x96: {  	v14 =	vld.idx.msk [tilespmem:v14+s3+$0x0], $0xffff  }
0x97: {  	v6 =	vadd.f32 v6, v3;
	v3 =	vmul.f32 v5, v5  }
0x98: {  	v4 =	vsub.f32 v15, v4  }
0x99: {  	v10 =	vsub.f32 v11, v10;
	v1 =	vadd.f32 v3, v1  }
0x9a: {  	v4 =	vmul.f32 v4, v4;
	v9 =	vsub.f32 v63, v9;
	v7 =	vsub.f32 v17, v7  }
0x9b: {  	v10 =	vmul.f32 v10, v10;
	v8 =	vsub.f32 v62, v8;
	v5 =	vsub.f32 v16, v14  }
0x9c: {  	v0 =	vadd.f32 v4, v0;
	v4 =	vmul.f32 v9, v9;
	v7 =	vmul.f32 v7, v7  }
0x9d: {  	v2 =	vadd.f32 v10, v2;
	_ =	swait.ge [sflag:s21], $0x1000;
	v3 =	vmul.f32 v5, v5;
	v5 =	vmul.f32 v8, v8  }
0x9e: {  	s26 =	simm.s32 $0x0;
	[sflag:s21] =	ssyncset.done $0x0;
	v1 =	vadd.f32 v4, v1;
	v0 =	vadd.f32 v7, v0  }
0x9f: {  	s0 =	simm.s32 $0x1C780;
	s1 =	simm.s32 $0x0;
	[sflag:s21] =	ssyncadd.s32 $0xFFFFF000;
	v3 =	vadd.f32 v3, v2;
	v2 =	vadd.f32 v5, v6  }
.LBB2_12:
0xa0: {  	p0 =	sne.s32 s1, $0xF80  }
.Ltmp5:
0xa1: {  	_ = 	snop;
	(pc) =	sbr.rel @p0 .LBB2_12-.Ltmp5, $4  }
0xa2: {  	_ = 	snop  }
0xa3: {  	s2 =	sadd.s32 s1, s8  }
0xa4: {  	[tilespmem:s0], [sflag:$0x4] =	stream.linear.gather [hbm4b:s2+s26], $0x80, $0x38;
	[tilespmem:$0x1E780] =	vst v63  }
0xa5: {  	s1 =	sadd.s32 $0x80, s1;
	s0 =	sadd.s32 $0x100, s0  }
0xa6: {  	s0 =	simm.s32 $0x1A730  }
0xa7: {  	v4 =	vld [tilespmem:s0+$0xFFFFFFE0]  }
0xa8: {  	v5 =	vld [tilespmem:s0+$0xFFFFFFF0]  }
0xa9: {  	s31 =	sand.u32 $0xFC0, s26;
	v8 =	vld [tilespmem:s0+$0x0]  }
0xaa: {  	v11 =	vld [tilespmem:s31+$0x1A700];
	s0 =	simm.s32 $0x1A770  }
0xab: {  	v9 =	vld [tilespmem:s0+$0xFFFFFFE0]  }
0xac: {  	s1 =	sand.u32 $0x40, s26;
	s2 =	sand.u32 $0x1F00, s26;
	v10 =	vld [tilespmem:s0+$0xFFFFFFF0]  }
0xad: {  	s1 =	sor.u32 s1, s2;
	v7 =	vld [tilespmem:s0+$0x0]  }
0xae: {  	s28 =	sadd.s32 $0x1C700, s1;
	v12 =	vld [tilespmem:s1+$0x1C700]  }
0xaf: {  	v13 =	vld [tilespmem:s28+$0x10]  }
0xb0: {  	v6 =	vld.idx.msk [tilespmem:v4+s3+$0x0], $0xffff  }
0xb1: {  	v4 =	vld.idx.msk [tilespmem:v8+s3+$0x0], $0xffff  }
0xb2: {  	v8 =	vld.idx.msk [tilespmem:v11+s3+$0x0], $0xffff  }
0xb3: {  	s2 =	simm.s32 $0x40;
	v5 =	vld.idx.msk [tilespmem:v5+s3+$0x0], $0xffff  }
0xb4: {  	s16 =	sand.u32 $0xFC0, s2;
	s1 =	simm.s32 $0x80;
	v11 =	vld [tilespmem:s28+$0x20]  }
.LBB2_14:
0xb5: {  	p0 =	sne.s32 s1, $0xFC0;
	v14 =	vld [tilespmem:s16+$0x1A700]  }
0xb6: {  	s0 =	sadd.s32 $0x40, s0;
	v15 =	vld [tilespmem:s28+$0x30]  }
0xb7: {  	v16 =	vld [tilespmem:s0+$0xFFFFFFE0];
	v8 =	vsub.f32 v12, v8  }
0xb8: {  	v12 =	vld [tilespmem:s0+$0xFFFFFFF0];
	v13 =	vsub.f32 v13, v6  }
0xb9: {  	v17 =	vld [tilespmem:s0+$0x0];
	v8 =	vmul.f32 v8, v8;
	v11 =	vsub.f32 v11, v5  }
0xba: {  	v6 =	vld.idx.msk [tilespmem:v9+s3+$0x0], $0xffff;
	v13 =	vmul.f32 v13, v13  }
0xbb: {  	s26 =	sadd.s32 $0x80, s26;
	v5 =	vld.idx.msk [tilespmem:v10+s3+$0x0], $0xffff;
	v3 =	vadd.f32 v8, v3;
	v18 =	vmul.f32 v11, v11;
	v11 =	vsub.f32 v15, v4  }
.Ltmp6:
0xbc: {  	s2 =	sand.u32 $0x40, s2;
	s4 =	sand.u32 $0x1F00, s26;
	v4 =	vld.idx.msk [tilespmem:v7+s3+$0x0], $0xffff;
	v2 =	vadd.f32 v13, v2;
	v9 =	vmov v16;
	(pc) =	sbr.rel @p0 .LBB2_14-.Ltmp6, $4  }
0xbd: {  	s4 =	sor.u32 s2, s4;
	s2 =	smov.u32 s1;
	v8 =	vld.idx.msk [tilespmem:v14+s3+$0x0], $0xffff;
	v1 =	vadd.f32 v18, v1;
	v11 =	vmul.f32 v11, v11;
	v10 =	vmov v12  }
0xbe: {  	s28 =	sadd.s32 $0x1C700, s4;
	v12 =	vld [tilespmem:s4+$0x1C700];
	v7 =	vmov v17  }
0xbf: {  	v13 =	vld [tilespmem:s28+$0x10];
	v0 =	vadd.f32 v11, v0  }
0xc0: {  	s1 =	sadd.s32 $0x40, s1;
	s16 =	sand.u32 $0xFC0, s2;
	v11 =	vld [tilespmem:s28+$0x20]  }
0xc1: {  	_ =	sdelay $0x1  }
0xc2: {  	v14 =	vld [tilespmem:s16+$0x1A700]  }
0xc3: {  	v15 =	vld [tilespmem:s28+$0x30]  }
0xc4: {  	v16 =	vld.idx.msk [tilespmem:v9+s3+$0x0], $0xffff;
	s0 =	sadd.s32 $0x80, s26  }
0xc5: {  	v10 =	vld.idx.msk [tilespmem:v10+s3+$0x0], $0xffff;
	s1 =	sand.u32 $0x40, s2;
	s0 =	sand.u32 $0x1F00, s0  }
0xc6: {  	v17 =	vld.idx.msk [tilespmem:v7+s3+$0x0], $0xffff;
	s0 =	sor.u32 s1, s0  }
0xc7: {  	s1 =	sadd.s32 $0x1C700, s0;
	v18 =	vld [tilespmem:s0+$0x1C700]  }
0xc8: {  	v19 =	vld [tilespmem:s1+$0x10]  }
0xc9: {  	v20 =	vld [tilespmem:s1+$0x20]  }
0xca: {  	v21 =	vld [tilespmem:s1+$0x30]  }
0xcb: {  	v14 =	vld.idx.msk [tilespmem:v14+s3+$0x0], $0xffff;
	_ =	swait.ge [sflag:s22], $0x1000  }
0xcc: {  	[sflag:s22] =	ssyncset.done $0x0  }
0xcd: {  	s23 =	simm.s32 $0x1B730;
	[sflag:s22] =	ssyncadd.s32 $0xFFFFF000  }
0xce: {  	v6 =	vsub.f32 v13, v6;
	v22 =	vld [tilespmem:s23+$0xFFFFFFE0]  }
0xcf: {  	s26 =	simm.s32 $0x0;
	v7 =	vsub.f32 v12, v8;
	v23 =	vld [tilespmem:s23+$0xFFFFFFF0]  }
0xd0: {  	p0 =	por $0x0, $0x0;
	s29 =	sand.u32 $0xFC0, s26;
	s0 =	simm.s32 $0x1;
	v5 =	vsub.f32 v11, v5;
	v6 =	vmul.f32 v6, v6;
	v24 =	vld [tilespmem:s23+$0x0]  }
0xd1: {  	s28 =	simm.s32 $0x1B770;
	v8 =	vmul.f32 v7, v7;
	s0 =	simm.s32 @!p0 $0x0;
	v11 =	vsub.f32 v15, v4;
	v12 =	vld [tilespmem:s29+$0x1B700]  }
0xd2: {  	s0 =	sshll.u32 s0, $0x6;
	v5 =	vmul.f32 v5, v5;
	v15 =	vadd.f32 v6, v2;
	v7 =	vld [tilespmem:s28+$0xFFFFFFE0];
	v6 =	vsub.f32 v18, v14  }
0xd3: {  	s0 =	sadd.s32 $0x0, s0;
	v11 =	vmul.f32 v11, v11;
	v9 =	vld [tilespmem:s28+$0xFFFFFFF0]  }
0xd4: {  	v13 =	vadd.f32 v8, v3;
	s30 =	sor.u32 $0x80, s0;
	v1 =	vadd.f32 v5, v1;
	v8 =	vld [tilespmem:s28+$0x0];
	v5 =	vmul.f32 v6, v6  }
0xd5: {  	s9 =	sor.u32 $0xA0, s0;
	v0 =	vadd.f32 v11, v0;
	v11 =	vld [tilespmem:s30+$0x1C700]  }
0xd6: {  	v17 =	vsub.f32 v21, v17;
	v6 =	vadd.f32 v5, v13;
	v13 =	vld [tilespmem:s9+$0x1C700]  }
0xd7: {  	v63 =	vsub.f32 v20, v10;
	v14 =	vsub.f32 v19, v16;
	v4 =	vld.idx.msk [tilespmem:v22+s3+$0x0], $0xffff  }
0xd8: {  	v17 =	vmul.f32 v17, v17;
	v3 =	vld.idx.msk [tilespmem:v23+s3+$0x0], $0xffff  }
0xd9: {  	s31 =	sor.u32 $0x90, s0;
	v16 =	vmul.f32 v63, v63;
	v14 =	vmul.f32 v14, v14;
	v10 =	vld.idx.msk [tilespmem:v12+s3+$0x0], $0xffff  }
0xda: {  	s4 =	simm.s32 $0x40;
	v0 =	vadd.f32 v17, v0;
	v12 =	vld [tilespmem:s31+$0x1C700]  }
0xdb: {  	s2 =	sand.u32 $0xFC0, s4;
	s1 =	sor.u32 $0xB0, s0;
	s0 =	simm.s32 $0x80;
	v1 =	vadd.f32 v16, v1;
	v5 =	vadd.f32 v14, v15;
	v2 =	vld.idx.msk [tilespmem:v24+s3+$0x0], $0xffff  }
.LBB2_16:
0xdc: {  	p1 =	sne.s32 s0, $0xFC0;
	v14 =	vld [tilespmem:s2+$0x1B700]  }
0xdd: {  	s28 =	sadd.s32 $0x40, s28;
	v15 =	vld [tilespmem:s1+$0x1C700]  }
0xde: {  	v16 =	vld [tilespmem:s28+$0xFFFFFFE0];
	v10 =	vsub.f32 v11, v10  }
0xdf: {  	v11 =	vld [tilespmem:s28+$0xFFFFFFF0];
	v12 =	vsub.f32 v12, v4  }
0xe0: {  	p0 =	por !p0, !p0;
	s1 =	simm.s32 $0x1;
	v17 =	vld [tilespmem:s28+$0x0];
	v10 =	vmul.f32 v10, v10;
	v13 =	vsub.f32 v13, v3  }
0xe1: {  	s1 =	simm.s32 @!p0 $0x0;
	v4 =	vld.idx.msk [tilespmem:v7+s3+$0x0], $0xffff;
	v18 =	vmul.f32 v12, v12  }
0xe2: {  	s26 =	sadd.s32 $0x80, s26;
	s1 =	sshll.u32 s1, $0x6;
	v3 =	vld.idx.msk [tilespmem:v9+s3+$0x0], $0xffff;
	v6 =	vadd.f32 v10, v6;
	v19 =	vmul.f32 v13, v13;
	v12 =	vsub.f32 v15, v2  }
.Ltmp7:
0xe3: {  	s1 =	sadd.s32 s1, s26;
	v2 =	vld.idx.msk [tilespmem:v8+s3+$0x0], $0xffff;
	v5 =	vadd.f32 v18, v5;
	v7 =	vmov v16;
	(pc) =	sbr.rel @p1 .LBB2_16-.Ltmp7, $4  }
0xe4: {  	s2 =	sor.u32 $0x80, s1;
	s4 =	sor.u32 $0x90, s1;
	s9 =	sor.u32 $0xA0, s1;
	v10 =	vld.idx.msk [tilespmem:v14+s3+$0x0], $0xffff;
	v1 =	vadd.f32 v19, v1;
	v13 =	vmul.f32 v12, v12;
	v9 =	vmov v11  }
0xe5: {  	s1 =	sor.u32 $0xB0, s1;
	v11 =	vld [tilespmem:s2+$0x1C700];
	v8 =	vmov v17  }
0xe6: {  	v12 =	vld [tilespmem:s4+$0x1C700];
	v0 =	vadd.f32 v13, v0  }
0xe7: {  	s2 =	sand.u32 $0xFC0, s0;
	s0 =	sadd.s32 $0x40, s0;
	v13 =	vld [tilespmem:s9+$0x1C700]  }
0xe8: {  	_ =	sdelay $0x1  }
0xe9: {  	v14 =	vld [tilespmem:s2+$0x1B700];
	p0 =	por !p0, !p0;
	s0 =	simm.s32 $0x1  }
0xea: {  	v15 =	vld [tilespmem:s1+$0x1C700];
	s0 =	simm.s32 @!p0 $0x0  }
0xeb: {  	v7 =	vld.idx.msk [tilespmem:v7+s3+$0x0], $0xffff;
	s23 =	sadd.s32 $0x80, s26;
	s0 =	sshll.u32 s0, $0x6  }
0xec: {  	v9 =	vld.idx.msk [tilespmem:v9+s3+$0x0], $0xffff;
	s0 =	sadd.s32 s0, s23  }
0xed: {  	v8 =	vld.idx.msk [tilespmem:v8+s3+$0x0], $0xffff;
	s1 =	sor.u32 $0x80, s0  }
0xee: {  	s26 =	sor.u32 $0x90, s0;
	v16 =	vld [tilespmem:s1+$0x1C700]  }
0xef: {  	s28 =	sor.u32 $0xA0, s0;
	v61 =	vld [tilespmem:s26+$0x1C700]  }
0xf0: {  	v62 =	vld [tilespmem:s28+$0x1C700]  }
0xf1: {  	v10 =	vsub.f32 v11, v10;
	v4 =	vsub.f32 v12, v4;
	s0 =	sor.u32 $0xB0, s0;
	v14 =	vld.idx.msk [tilespmem:v14+s3+$0x0], $0xffff  }
0xf2: {  	v17 =	vld [tilespmem:s0+$0x1C700]  }
0xf3: {  	v10 =	vmul.f32 v10, v10;
	v4 =	vmul.f32 v4, v4  }
0xf4: {  	v3 =	vsub.f32 v13, v3;
	v2 =	vsub.f32 v15, v2  }
0xf5: {  	v6 =	vadd.f32 v10, v6;
	v4 =	vadd.f32 v4, v5  }
0xf6: {  	v3 =	vmul.f32 v3, v3;
	v9 =	vsub.f32 v62, v9;
	v5 =	vsub.f32 v16, v14  }
0xf7: {  	v2 =	vmul.f32 v2, v2;
	v7 =	vsub.f32 v61, v7;
	v8 =	vsub.f32 v17, v8  }
0xf8: {  	s29 =	simm.s32 $0x0;
	s30 =	rddreg [dreg:$0x6];
	v1 =	vadd.f32 v3, v1;
	v9 =	vmul.f32 v9, v9;
	v3 =	vmul.f32 v5, v5  }
0xf9: {  	s31 =	simm.s32 $0x80;
	s4 =	simm.s32 $0x400;
	s16 =	sadd.s32 $0x0, s10;
	v63 =	vadd.f32 v2, v0;
	v8 =	vmul.f32 v8, v8;
	v5 =	vmul.f32 v7, v7  }
0xfa: {  	s2 =	simm.s32 $0x1C800;
	s0 =	simm.s32 $0x1C700;
	s1 =	simm.s32 $0x80;
	v1 =	vadd.f32 v9, v1;
	v2 =	vadd.f32 v3, v6  }
0xfb: {  	[tilespmem:s29], [sflag:$0x1] =	stream.strided.gather [hbm4b:s30+s31], $0x18700, s4, s31, $0x38;
	v0 =	vadd.f32 v5, v4;
	v3 =	vadd.f32 v8, v63;
	[tilespmem:$0x1E780] =	vst v63  }
.LBB2_18:
0xfc: {  	[tilespmem:s0], [sflag:$0x3] =	stream.linear.gather [hbm4b:s16+s3], $0x80, $0x38;
	[tilespmem:$0x1E780] =	vst v63  }
0xfd: {  	s4 =	smov.u32 s1;
	s0 =	smov.u32 s2;
	p0 =	sne.s32 s1, $0xF80  }
.Ltmp8:
0xfe: {  	s1 =	sadd.s32 $0x80, s1;
	(pc) =	sbr.rel @p0 .LBB2_18-.Ltmp8, $2  }
0xff: {  	_ =	sdelay $0x2  }
0x100: {  	s2 =	sadd.s32 $0x100, s2;
	s16 =	sadd.s32 s4, s10  }
0x101: {  	[tilespmem:s0], [sflag:$0x3] =	stream.linear.gather [hbm4b:s16+s3], $0x80, $0x38;
	[tilespmem:$0x1E780] =	vst v63  }
0x102: {  	_ =	swait.ge [sflag:s20], $0x18700  }
0x103: {  	[sflag:s20] =	ssyncset.done $0x0  }
0x104: {  	[sflag:s20] =	ssyncadd.s32 $0xFFFE7900  }
0x105: {  	_ =	swait.ge [sflag:s21], $0x1000  }
0x106: {  	s0 =	simm.s32 $0x0;
	[sflag:s21] =	ssyncset.done $0x0  }
0x107: {  	s1 =	simm.s32 $0x1C780;
	s2 =	simm.s32 $0x0;
	[sflag:s21] =	ssyncadd.s32 $0xFFFFF000  }
.LBB2_20:
0x108: {  	p0 =	sne.s32 s2, $0xF80  }
.Ltmp9:
0x109: {  	_ = 	snop;
	(pc) =	sbr.rel @p0 .LBB2_20-.Ltmp9, $4  }
0x10a: {  	_ = 	snop  }
0x10b: {  	s4 =	sadd.s32 s2, s11  }
0x10c: {  	[tilespmem:s1], [sflag:$0x4] =	stream.linear.gather [hbm4b:s4+s0], $0x80, $0x38;
	[tilespmem:$0x1E780] =	vst v63  }
0x10d: {  	s2 =	sadd.s32 $0x80, s2;
	s1 =	sadd.s32 $0x100, s1  }
0x10e: {  	s1 =	sand.u32 $0x40, s0;
	s2 =	sand.u32 $0xF80, s0  }
0x10f: {  	s4 =	simm.s32 $0x18700;
	s2 =	sadd.s32 $0x18700, s2;
	s9 =	sor.u32 $0x30, s1  }
0x110: {  	v4 =	vld [tilespmem:s4+$0x0];
	s16 =	sor.u32 $0x10, s1;
	s23 =	sor.u32 s9, s2  }
0x111: {  	s4 =	sor.u32 $0x20, s1;
	s17 =	sor.u32 s16, s2;
	v5 =	vld [tilespmem:s23+$0x0]  }
0x112: {  	s2 =	sor.u32 s4, s2;
	v6 =	vld [tilespmem:s17+$0x0]  }
0x113: {  	v7 =	vld [tilespmem:s2+$0x0];
	s17 =	sand.u32 $0x1F00, s0  }
0x114: {  	s26 =	simm.s32 $0x18740;
	s18 =	simm.s32 $0x40;
	s0 =	sadd.s32 $0x1C700, s17  }
0x115: {  	v11 =	vld [tilespmem:s26+$0x0];
	s2 =	sand.u32 $0xF80, s18;
	s17 =	sand.u32 $0x40, s18;
	s9 =	sor.u32 s9, s0  }
0x116: {  	s2 =	sadd.s32 $0x18700, s2;
	s18 =	sor.u32 $0x10, s17;
	s1 =	sor.u32 s1, s0;
	v9 =	vld [tilespmem:s9+$0x0]  }
0x117: {  	s28 =	sor.u32 s18, s2;
	v14 =	vld [tilespmem:s1+$0x0]  }
0x118: {  	v8 =	vld [tilespmem:s28+$0x0]  }
0x119: {  	v12 =	vld.idx.msk [tilespmem:v4+s3+$0x0], $0xffff  }
0x11a: {  	s9 =	sor.u32 $0x30, s17;
	v5 =	vld.idx.msk [tilespmem:v5+s3+$0x0], $0xffff  }
0x11b: {  	s23 =	sor.u32 s9, s2;
	v4 =	vld.idx.msk [tilespmem:v7+s3+$0x0], $0xffff  }
0x11c: {  	s26 =	sor.u32 $0x20, s17;
	v7 =	vld [tilespmem:s23+$0x0]  }
0x11d: {  	s2 =	sor.u32 s26, s2;
	v13 =	vld.idx.msk [tilespmem:v6+s3+$0x0], $0xffff  }
0x11e: {  	v6 =	vld [tilespmem:s2+$0x0];
	s23 =	sor.u32 s16, s0  }
0x11f: {  	s28 =	simm.s32 $0x80;
	s0 =	sor.u32 s4, s0;
	v15 =	vld [tilespmem:s23+$0x0]  }
0x120: {  	s30 =	simm.s32 $0x18780;
	s4 =	sand.u32 $0x1F00, s28;
	v5 =	vsub.f32 v9, v5;
	v9 =	vld [tilespmem:s0+$0x0]  }
0x121: {  	v10 =	vld [tilespmem:s30+$0x0];
	s2 =	sadd.s32 $0x1C700, s4  }
0x122: {  	s16 =	simm.s32 $0x80;
	s23 =	sor.u32 s9, s2;
	v16 =	vmul.f32 v5, v5;
	v5 =	vld.idx.msk [tilespmem:v11+s3+$0x0], $0xffff  }
0x123: {  	s1 =	simm.s32 $0xC0;
	s29 =	sand.u32 $0x40, s16;
	v12 =	vsub.f32 v14, v12;
	v11 =	vld [tilespmem:s23+$0x0]  }
0x124: {  	s16 =	sand.u32 $0xF80, s16;
	s31 =	sor.u32 s17, s2;
	s0 =	sor.u32 s18, s2;
	v13 =	vsub.f32 v15, v13;
	v7 =	vld.idx.msk [tilespmem:v7+s3+$0x0], $0xffff;
	v3 =	vadd.f32 v16, v3  }
.LBB2_22:
0x125: {  	p0 =	sne.s32 s1, $0xFC0;
	s4 =	sadd.s32 $0x18700, s16;
	s9 =	sor.u32 $0x30, s29;
	v14 =	vld.idx.msk [tilespmem:v8+s3+$0x0], $0xffff;
	v8 =	vmul.f32 v12, v12;
	v9 =	vsub.f32 v9, v4  }
0x126: {  	s16 =	sor.u32 $0x10, s29;
	s17 =	sor.u32 $0x20, s29;
	s18 =	sor.u32 s9, s4;
	v4 =	vld.idx.msk [tilespmem:v6+s3+$0x0], $0xffff;
	v6 =	vmul.f32 v13, v13;
	v12 =	vmov v10  }
0x127: {  	s2 =	sor.u32 s26, s2;
	s23 =	sor.u32 s16, s4;
	s4 =	sor.u32 s17, s4;
	v13 =	vld [tilespmem:s18+$0x0];
	v2 =	vadd.f32 v8, v2;
	v9 =	vmul.f32 v9, v9  }
0x128: {  	s26 =	smov.u32 s17;
	v15 =	vmov v5;
	v8 =	vld [tilespmem:s23+$0x0];
	v0 =	vadd.f32 v6, v0  }
0x129: {  	v6 =	vld [tilespmem:s4+$0x0];
	v5 =	vsub.f32 v11, v7;
	v1 =	vadd.f32 v9, v1  }
0x12a: {  	v11 =	vld [tilespmem:s31+$0x0]  }
0x12b: {  	v16 =	vld [tilespmem:s0+$0x0];
	v5 =	vmul.f32 v5, v5  }
.Ltmp10:
0x12c: {  	s30 =	sadd.s32 $0x40, s30;
	s28 =	sadd.s32 $0x80, s28;
	v9 =	vld [tilespmem:s2+$0x0];
	(pc) =	sbr.rel @p0 .LBB2_22-.Ltmp10, $4  }
0x12d: {  	s0 =	sand.u32 $0x1F00, s28;
	v10 =	vld [tilespmem:s30+$0x0];
	v3 =	vadd.f32 v5, v3  }
0x12e: {  	s2 =	sadd.s32 $0x1C700, s0;
	v5 =	vld.idx.msk [tilespmem:v12+s3+$0x0], $0xffff  }
0x12f: {  	s31 =	sor.u32 s29, s2;
	s0 =	sor.u32 s16, s2;
	s4 =	sor.u32 s9, s2;
	v7 =	vld.idx.msk [tilespmem:v13+s3+$0x0], $0xffff;
	v12 =	vsub.f32 v11, v15  }
0x130: {  	s29 =	sand.u32 $0x40, s1;
	s16 =	sand.u32 $0xF80, s1;
	s1 =	sadd.s32 $0x40, s1;
	v11 =	vld [tilespmem:s4+$0x0];
	v13 =	vsub.f32 v16, v14  }
0x131: {  	_ =	sdelay $0x3  }
0x132: {  	v8 =	vld.idx.msk [tilespmem:v8+s3+$0x0], $0xffff  }
0x133: {  	v6 =	vld.idx.msk [tilespmem:v6+s3+$0x0], $0xffff  }
0x134: {  	v17 =	vld [tilespmem:s31+$0x0]  }
0x135: {  	s1 =	sadd.s32 $0x18700, s16;
	s4 =	sor.u32 $0x30, s29;
	s23 =	sor.u32 s26, s2;
	v18 =	vld [tilespmem:s0+$0x0]  }
0x136: {  	s16 =	sor.u32 $0x10, s29;
	s9 =	sor.u32 s4, s1;
	v19 =	vld [tilespmem:s23+$0x0]  }
0x137: {  	s18 =	sor.u32 $0x20, s29;
	s26 =	sadd.s32 $0x80, s28;
	s17 =	sor.u32 s16, s1;
	v14 =	vld [tilespmem:s9+$0x0]  }
0x138: {  	s1 =	sor.u32 s18, s1;
	s0 =	sand.u32 $0x1F00, s26;
	v15 =	vld [tilespmem:s17+$0x0]  }
0x139: {  	v16 =	vld [tilespmem:s1+$0x0];
	s0 =	sadd.s32 $0x1C700, s0  }
0x13a: {  	v10 =	vld.idx.msk [tilespmem:v10+s3+$0x0], $0xffff;
	s28 =	sor.u32 s4, s0  }
0x13b: {  	s30 =	sor.u32 s29, s0;
	v20 =	vld [tilespmem:s28+$0x0]  }
0x13c: {  	s31 =	sor.u32 s16, s0;
	v57 =	vld [tilespmem:s30+$0x0]  }
0x13d: {  	s0 =	sor.u32 s18, s0;
	v58 =	vld [tilespmem:s31+$0x0]  }
0x13e: {  	v4 =	vsub.f32 v9, v4;
	v59 =	vld [tilespmem:s0+$0x0]  }
0x13f: {  	v12 =	vmul.f32 v12, v12;
	v13 =	vmul.f32 v13, v13;
	v14 =	vld.idx.msk [tilespmem:v14+s3+$0x0], $0xffff  }
0x140: {  	v4 =	vmul.f32 v4, v4;
	v7 =	vsub.f32 v11, v7;
	v5 =	vsub.f32 v17, v5;
	v15 =	vld.idx.msk [tilespmem:v15+s3+$0x0], $0xffff  }
0x141: {  	v2 =	vadd.f32 v12, v2;
	v0 =	vadd.f32 v13, v0;
	v56 =	vld.idx.msk [tilespmem:v16+s3+$0x0], $0xffff  }
0x142: {  	v1 =	vadd.f32 v4, v1;
	v7 =	vmul.f32 v7, v7;
	v4 =	vmul.f32 v5, v5  }
0x143: {  	v6 =	vsub.f32 v19, v6;
	v5 =	vsub.f32 v18, v8  }
0x144: {  	v3 =	vadd.f32 v7, v3;
	v2 =	vadd.f32 v4, v2  }
0x145: {  	v4 =	vmul.f32 v5, v5;
	v60 =	vsub.f32 v57, v10;
	v5 =	vsub.f32 v20, v14  }
0x146: {  	v6 =	vmul.f32 v6, v6;
	v61 =	vsub.f32 v58, v15;
	v9 =	vsub.f32 v59, v56  }
0x147: {  	v4 =	vadd.f32 v4, v0;
	v0 =	vmul.f32 v5, v5;
	v5 =	vmul.f32 v60, v60  }
0x148: {  	_ =	swait.ge [sflag:s22], $0x1000;
	v1 =	vadd.f32 v6, v1;
	v62 =	vmul.f32 v61, v61;
	v63 =	vmul.f32 v9, v9  }
0x149: {  	s26 =	simm.s32 $0x0;
	[sflag:s22] =	ssyncset.done $0x0;
	v0 =	vadd.f32 v0, v3;
	v2 =	vadd.f32 v5, v2  }
0x14a: {  	s1 =	simm.s32 $0x0;
	s0 =	simm.s32 $0x1C700;
	[sflag:s22] =	ssyncadd.s32 $0xFFFFF000;
	v3 =	vadd.f32 v62, v4;
	v1 =	vadd.f32 v63, v1  }
.LBB2_24:
0x14b: {  	p0 =	sne.s32 s1, $0xF80  }
.Ltmp11:
0x14c: {  	_ = 	snop;
	(pc) =	sbr.rel @p0 .LBB2_24-.Ltmp11, $4  }
0x14d: {  	_ = 	snop  }
0x14e: {  	s2 =	sadd.s32 s1, s12  }
0x14f: {  	[tilespmem:s0], [sflag:$0x3] =	stream.linear.gather [hbm4b:s2+s26], $0x80, $0x38;
	[tilespmem:$0x1E780] =	vst v63  }
0x150: {  	s1 =	sadd.s32 $0x80, s1;
	s0 =	sadd.s32 $0x100, s0  }
0x151: {  	s0 =	simm.s32 $0x19730  }
0x152: {  	v4 =	vld [tilespmem:s0+$0xFFFFFFE0]  }
0x153: {  	v5 =	vld [tilespmem:s0+$0xFFFFFFF0]  }
0x154: {  	s31 =	sand.u32 $0xFC0, s26;
	v10 =	vld [tilespmem:s0+$0x0]  }
0x155: {  	p0 =	por $0x0, $0x0;
	v11 =	vld [tilespmem:s31+$0x19700];
	s0 =	simm.s32 $0x1  }
0x156: {  	s28 =	simm.s32 $0x19770;
	s0 =	simm.s32 @!p0 $0x0  }
0x157: {  	v8 =	vld [tilespmem:s28+$0xFFFFFFE0];
	s0 =	sshll.u32 s0, $0x6  }
0x158: {  	v9 =	vld [tilespmem:s28+$0xFFFFFFF0];
	s0 =	sadd.s32 $0x0, s0  }
0x159: {  	v7 =	vld [tilespmem:s28+$0x0];
	s2 =	sor.u32 $0x90, s0  }
0x15a: {  	v13 =	vld [tilespmem:s2+$0x1C700]  }
0x15b: {  	v6 =	vld.idx.msk [tilespmem:v4+s3+$0x0], $0xffff  }
0x15c: {  	v4 =	vld.idx.msk [tilespmem:v10+s3+$0x0], $0xffff  }
0x15d: {  	s1 =	sor.u32 $0x80, s0;
	v10 =	vld.idx.msk [tilespmem:v11+s3+$0x0], $0xffff  }
0x15e: {  	s9 =	sor.u32 $0xA0, s0;
	v11 =	vld [tilespmem:s1+$0x1C700]  }
0x15f: {  	s4 =	simm.s32 $0x40;
	v12 =	vld [tilespmem:s9+$0x1C700]  }
0x160: {  	s2 =	sand.u32 $0xFC0, s4;
	v5 =	vld.idx.msk [tilespmem:v5+s3+$0x0], $0xffff;
	s1 =	sor.u32 $0xB0, s0;
	s0 =	simm.s32 $0x80  }
.LBB2_26:
0x161: {  	p1 =	sne.s32 s0, $0xFC0;
	v14 =	vld [tilespmem:s2+$0x19700]  }
0x162: {  	s28 =	sadd.s32 $0x40, s28;
	v15 =	vld [tilespmem:s1+$0x1C700]  }
0x163: {  	v16 =	vld [tilespmem:s28+$0xFFFFFFE0];
	v10 =	vsub.f32 v11, v10  }
0x164: {  	v11 =	vld [tilespmem:s28+$0xFFFFFFF0];
	v13 =	vsub.f32 v13, v6  }
0x165: {  	p0 =	por !p0, !p0;
	s1 =	simm.s32 $0x1;
	v17 =	vld [tilespmem:s28+$0x0];
	v10 =	vmul.f32 v10, v10;
	v12 =	vsub.f32 v12, v5  }
0x166: {  	s1 =	simm.s32 @!p0 $0x0;
	v6 =	vld.idx.msk [tilespmem:v8+s3+$0x0], $0xffff;
	v13 =	vmul.f32 v13, v13  }
0x167: {  	s26 =	sadd.s32 $0x80, s26;
	s1 =	sshll.u32 s1, $0x6;
	v5 =	vld.idx.msk [tilespmem:v9+s3+$0x0], $0xffff;
	v2 =	vadd.f32 v10, v2;
	v18 =	vmul.f32 v12, v12;
	v12 =	vsub.f32 v15, v4  }
.Ltmp12:
0x168: {  	s1 =	sadd.s32 s1, s26;
	v4 =	vld.idx.msk [tilespmem:v7+s3+$0x0], $0xffff;
	v3 =	vadd.f32 v13, v3;
	v8 =	vmov v16;
	(pc) =	sbr.rel @p1 .LBB2_26-.Ltmp12, $4  }
0x169: {  	s2 =	sor.u32 $0x80, s1;
	s4 =	sor.u32 $0x90, s1;
	s9 =	sor.u32 $0xA0, s1;
	v10 =	vld.idx.msk [tilespmem:v14+s3+$0x0], $0xffff;
	v1 =	vadd.f32 v18, v1;
	v12 =	vmul.f32 v12, v12;
	v9 =	vmov v11  }
0x16a: {  	s1 =	sor.u32 $0xB0, s1;
	v11 =	vld [tilespmem:s2+$0x1C700];
	v7 =	vmov v17  }
0x16b: {  	v13 =	vld [tilespmem:s4+$0x1C700];
	v0 =	vadd.f32 v12, v0  }
0x16c: {  	s2 =	sand.u32 $0xFC0, s0;
	s0 =	sadd.s32 $0x40, s0;
	v12 =	vld [tilespmem:s9+$0x1C700]  }
0x16d: {  	_ =	sdelay $0x1  }
0x16e: {  	v14 =	vld [tilespmem:s2+$0x19700];
	p0 =	por !p0, !p0;
	s0 =	simm.s32 $0x1  }
0x16f: {  	v15 =	vld [tilespmem:s1+$0x1C700];
	s0 =	simm.s32 @!p0 $0x0  }
0x170: {  	v8 =	vld.idx.msk [tilespmem:v8+s3+$0x0], $0xffff;
	s29 =	sadd.s32 $0x80, s26;
	s0 =	sshll.u32 s0, $0x6  }
0x171: {  	v9 =	vld.idx.msk [tilespmem:v9+s3+$0x0], $0xffff;
	s0 =	sadd.s32 s0, s29  }
0x172: {  	v7 =	vld.idx.msk [tilespmem:v7+s3+$0x0], $0xffff;
	s1 =	sor.u32 $0x80, s0  }
0x173: {  	s30 =	sor.u32 $0x90, s0;
	v16 =	vld [tilespmem:s1+$0x1C700]  }
0x174: {  	v6 =	vsub.f32 v13, v6;
	s31 =	sor.u32 $0xA0, s0;
	v62 =	vld [tilespmem:s30+$0x1C700]  }
0x175: {  	s0 =	sor.u32 $0xB0, s0;
	v63 =	vld [tilespmem:s31+$0x1C700]  }
0x176: {  	v5 =	vsub.f32 v12, v5;
	v17 =	vld [tilespmem:s0+$0x1C700];
	v6 =	vmul.f32 v6, v6  }
0x177: {  	v14 =	vld.idx.msk [tilespmem:v14+s3+$0x0], $0xffff  }
0x178: {  	v6 =	vadd.f32 v6, v3;
	v3 =	vmul.f32 v5, v5  }
0x179: {  	v4 =	vsub.f32 v15, v4  }
0x17a: {  	v10 =	vsub.f32 v11, v10;
	v1 =	vadd.f32 v3, v1  }
0x17b: {  	v4 =	vmul.f32 v4, v4;
	v9 =	vsub.f32 v63, v9;
	v7 =	vsub.f32 v17, v7  }
0x17c: {  	v10 =	vmul.f32 v10, v10;
	v8 =	vsub.f32 v62, v8;
	v5 =	vsub.f32 v16, v14  }
0x17d: {  	v0 =	vadd.f32 v4, v0;
	v4 =	vmul.f32 v9, v9;
	v7 =	vmul.f32 v7, v7  }
0x17e: {  	v2 =	vadd.f32 v10, v2;
	_ =	swait.ge [sflag:s21], $0x1000;
	v3 =	vmul.f32 v5, v5;
	v5 =	vmul.f32 v8, v8  }
0x17f: {  	s26 =	simm.s32 $0x0;
	[sflag:s21] =	ssyncset.done $0x0;
	v1 =	vadd.f32 v4, v1;
	v0 =	vadd.f32 v7, v0  }
0x180: {  	s0 =	simm.s32 $0x1C780;
	s1 =	simm.s32 $0x0;
	[sflag:s21] =	ssyncadd.s32 $0xFFFFF000;
	v3 =	vadd.f32 v3, v2;
	v2 =	vadd.f32 v5, v6  }
.LBB2_28:
0x181: {  	p0 =	sne.s32 s1, $0xF80  }
.Ltmp13:
0x182: {  	_ = 	snop;
	(pc) =	sbr.rel @p0 .LBB2_28-.Ltmp13, $4  }
0x183: {  	_ = 	snop  }
0x184: {  	s2 =	sadd.s32 s1, s13  }
0x185: {  	[tilespmem:s0], [sflag:$0x4] =	stream.linear.gather [hbm4b:s2+s26], $0x80, $0x38;
	[tilespmem:$0x1E780] =	vst v63  }
0x186: {  	s1 =	sadd.s32 $0x80, s1;
	s0 =	sadd.s32 $0x100, s0  }
0x187: {  	s0 =	simm.s32 $0x1A730  }
0x188: {  	v4 =	vld [tilespmem:s0+$0xFFFFFFE0]  }
0x189: {  	v5 =	vld [tilespmem:s0+$0xFFFFFFF0]  }
0x18a: {  	s31 =	sand.u32 $0xFC0, s26;
	v8 =	vld [tilespmem:s0+$0x0]  }
0x18b: {  	v11 =	vld [tilespmem:s31+$0x1A700];
	s0 =	simm.s32 $0x1A770  }
0x18c: {  	v9 =	vld [tilespmem:s0+$0xFFFFFFE0]  }
0x18d: {  	s1 =	sand.u32 $0x40, s26;
	s2 =	sand.u32 $0x1F00, s26;
	v10 =	vld [tilespmem:s0+$0xFFFFFFF0]  }
0x18e: {  	s1 =	sor.u32 s1, s2;
	v7 =	vld [tilespmem:s0+$0x0]  }
0x18f: {  	s28 =	sadd.s32 $0x1C700, s1;
	v12 =	vld [tilespmem:s1+$0x1C700]  }
0x190: {  	v13 =	vld [tilespmem:s28+$0x10]  }
0x191: {  	v6 =	vld.idx.msk [tilespmem:v4+s3+$0x0], $0xffff  }
0x192: {  	v4 =	vld.idx.msk [tilespmem:v8+s3+$0x0], $0xffff  }
0x193: {  	v8 =	vld.idx.msk [tilespmem:v11+s3+$0x0], $0xffff  }
0x194: {  	s2 =	simm.s32 $0x40;
	v5 =	vld.idx.msk [tilespmem:v5+s3+$0x0], $0xffff  }
0x195: {  	s16 =	sand.u32 $0xFC0, s2;
	s1 =	simm.s32 $0x80;
	v11 =	vld [tilespmem:s28+$0x20]  }
.LBB2_30:
0x196: {  	p0 =	sne.s32 s1, $0xFC0;
	v14 =	vld [tilespmem:s16+$0x1A700]  }
0x197: {  	s0 =	sadd.s32 $0x40, s0;
	v15 =	vld [tilespmem:s28+$0x30]  }
0x198: {  	v16 =	vld [tilespmem:s0+$0xFFFFFFE0];
	v8 =	vsub.f32 v12, v8  }
0x199: {  	v12 =	vld [tilespmem:s0+$0xFFFFFFF0];
	v13 =	vsub.f32 v13, v6  }
0x19a: {  	v17 =	vld [tilespmem:s0+$0x0];
	v8 =	vmul.f32 v8, v8;
	v11 =	vsub.f32 v11, v5  }
0x19b: {  	v6 =	vld.idx.msk [tilespmem:v9+s3+$0x0], $0xffff;
	v13 =	vmul.f32 v13, v13  }
0x19c: {  	s26 =	sadd.s32 $0x80, s26;
	v5 =	vld.idx.msk [tilespmem:v10+s3+$0x0], $0xffff;
	v3 =	vadd.f32 v8, v3;
	v18 =	vmul.f32 v11, v11;
	v11 =	vsub.f32 v15, v4  }
.Ltmp14:
0x19d: {  	s2 =	sand.u32 $0x40, s2;
	s4 =	sand.u32 $0x1F00, s26;
	v4 =	vld.idx.msk [tilespmem:v7+s3+$0x0], $0xffff;
	v2 =	vadd.f32 v13, v2;
	v9 =	vmov v16;
	(pc) =	sbr.rel @p0 .LBB2_30-.Ltmp14, $4  }
0x19e: {  	s4 =	sor.u32 s2, s4;
	s2 =	smov.u32 s1;
	v8 =	vld.idx.msk [tilespmem:v14+s3+$0x0], $0xffff;
	v1 =	vadd.f32 v18, v1;
	v11 =	vmul.f32 v11, v11;
	v10 =	vmov v12  }
0x19f: {  	s28 =	sadd.s32 $0x1C700, s4;
	v12 =	vld [tilespmem:s4+$0x1C700];
	v7 =	vmov v17  }
0x1a0: {  	v13 =	vld [tilespmem:s28+$0x10];
	v0 =	vadd.f32 v11, v0  }
0x1a1: {  	s1 =	sadd.s32 $0x40, s1;
	s16 =	sand.u32 $0xFC0, s2;
	v11 =	vld [tilespmem:s28+$0x20]  }
0x1a2: {  	_ =	sdelay $0x1  }
0x1a3: {  	v14 =	vld [tilespmem:s16+$0x1A700]  }
0x1a4: {  	v15 =	vld [tilespmem:s28+$0x30]  }
0x1a5: {  	v9 =	vld.idx.msk [tilespmem:v9+s3+$0x0], $0xffff;
	s0 =	sadd.s32 $0x80, s26  }
0x1a6: {  	v10 =	vld.idx.msk [tilespmem:v10+s3+$0x0], $0xffff;
	s1 =	sand.u32 $0x40, s2;
	s0 =	sand.u32 $0x1F00, s0  }
0x1a7: {  	v16 =	vld.idx.msk [tilespmem:v7+s3+$0x0], $0xffff;
	s0 =	sor.u32 s1, s0  }
0x1a8: {  	s1 =	sadd.s32 $0x1C700, s0;
	v17 =	vld [tilespmem:s0+$0x1C700]  }
0x1a9: {  	v18 =	vld [tilespmem:s1+$0x10]  }
0x1aa: {  	v19 =	vld [tilespmem:s1+$0x20]  }
0x1ab: {  	v20 =	vld [tilespmem:s1+$0x30]  }
0x1ac: {  	v14 =	vld.idx.msk [tilespmem:v14+s3+$0x0], $0xffff;
	_ =	swait.ge [sflag:s22], $0x1000  }
0x1ad: {  	[sflag:s22] =	ssyncset.done $0x0  }
0x1ae: {  	s23 =	simm.s32 $0x1B730;
	[sflag:s22] =	ssyncadd.s32 $0xFFFFF000  }
0x1af: {  	v21 =	vld [tilespmem:s23+$0xFFFFFFE0]  }
0x1b0: {  	s26 =	simm.s32 $0x0;
	v7 =	vsub.f32 v12, v8;
	v22 =	vld [tilespmem:s23+$0xFFFFFFF0]  }
0x1b1: {  	p0 =	por $0x0, $0x0;
	s29 =	sand.u32 $0xFC0, s26;
	s0 =	simm.s32 $0x1;
	v5 =	vsub.f32 v11, v5;
	v23 =	vld [tilespmem:s23+$0x0]  }
0x1b2: {  	s28 =	simm.s32 $0x1B770;
	v6 =	vsub.f32 v13, v6;
	v13 =	vmul.f32 v7, v7;
	s0 =	simm.s32 @!p0 $0x0;
	v11 =	vsub.f32 v15, v4;
	v12 =	vld [tilespmem:s29+$0x1B700]  }
0x1b3: {  	s0 =	sshll.u32 s0, $0x6;
	v15 =	vmul.f32 v5, v5;
	v8 =	vld [tilespmem:s28+$0xFFFFFFE0];
	v14 =	vsub.f32 v17, v14  }
0x1b4: {  	v13 =	vadd.f32 v13, v3;
	s0 =	sadd.s32 $0x0, s0;
	v11 =	vmul.f32 v11, v11;
	v7 =	vld [tilespmem:s28+$0xFFFFFFF0]  }
0x1b5: {  	s30 =	sor.u32 $0x80, s0;
	v15 =	vadd.f32 v15, v1;
	v9 =	vsub.f32 v18, v9;
	v3 =	vld [tilespmem:s28+$0x0];
	v1 =	vmul.f32 v14, v14  }
0x1b6: {  	s9 =	sor.u32 $0xA0, s0;
	v0 =	vadd.f32 v11, v0;
	v11 =	vld [tilespmem:s30+$0x1C700]  }
0x1b7: {  	v16 =	vsub.f32 v20, v16;
	v14 =	vmul.f32 v9, v9;
	v9 =	vadd.f32 v1, v13;
	v13 =	vld [tilespmem:s9+$0x1C700]  }
0x1b8: {  	v6 =	vmul.f32 v6, v6;
	v63 =	vsub.f32 v19, v10;
	v4 =	vld.idx.msk [tilespmem:v21+s3+$0x0], $0xffff  }
0x1b9: {  	v16 =	vmul.f32 v16, v16;
	v5 =	vld.idx.msk [tilespmem:v22+s3+$0x0], $0xffff  }
0x1ba: {  	v6 =	vadd.f32 v6, v2;
	s31 =	sor.u32 $0x90, s0;
	v17 =	vmul.f32 v63, v63;
	v10 =	vld.idx.msk [tilespmem:v12+s3+$0x0], $0xffff  }
0x1bb: {  	s4 =	simm.s32 $0x40;
	v0 =	vadd.f32 v16, v0;
	v12 =	vld [tilespmem:s31+$0x1C700]  }
0x1bc: {  	s2 =	sand.u32 $0xFC0, s4;
	s1 =	sor.u32 $0xB0, s0;
	s0 =	simm.s32 $0x80;
	v1 =	vadd.f32 v14, v6;
	v6 =	vadd.f32 v17, v15;
	v2 =	vld.idx.msk [tilespmem:v23+s3+$0x0], $0xffff  }
.LBB2_32:
0x1bd: {  	p1 =	sne.s32 s0, $0xFC0;
	v14 =	vld [tilespmem:s2+$0x1B700]  }
0x1be: {  	s28 =	sadd.s32 $0x40, s28;
	v15 =	vld [tilespmem:s1+$0x1C700]  }
0x1bf: {  	v16 =	vld [tilespmem:s28+$0xFFFFFFE0];
	v10 =	vsub.f32 v11, v10  }
0x1c0: {  	v11 =	vld [tilespmem:s28+$0xFFFFFFF0];
	v12 =	vsub.f32 v12, v4  }
0x1c1: {  	p0 =	por !p0, !p0;
	s1 =	simm.s32 $0x1;
	v17 =	vld [tilespmem:s28+$0x0];
	v10 =	vmul.f32 v10, v10;
	v13 =	vsub.f32 v13, v5  }
0x1c2: {  	s1 =	simm.s32 @!p0 $0x0;
	v4 =	vld.idx.msk [tilespmem:v8+s3+$0x0], $0xffff;
	v18 =	vmul.f32 v12, v12  }
0x1c3: {  	s26 =	sadd.s32 $0x80, s26;
	s1 =	sshll.u32 s1, $0x6;
	v5 =	vld.idx.msk [tilespmem:v7+s3+$0x0], $0xffff;
	v9 =	vadd.f32 v10, v9;
	v19 =	vmul.f32 v13, v13;
	v12 =	vsub.f32 v15, v2  }
.Ltmp15:
0x1c4: {  	s1 =	sadd.s32 s1, s26;
	v2 =	vld.idx.msk [tilespmem:v3+s3+$0x0], $0xffff;
	v1 =	vadd.f32 v18, v1;
	v8 =	vmov v16;
	(pc) =	sbr.rel @p1 .LBB2_32-.Ltmp15, $4  }
0x1c5: {  	s2 =	sor.u32 $0x80, s1;
	s4 =	sor.u32 $0x90, s1;
	s9 =	sor.u32 $0xA0, s1;
	v10 =	vld.idx.msk [tilespmem:v14+s3+$0x0], $0xffff;
	v6 =	vadd.f32 v19, v6;
	v13 =	vmul.f32 v12, v12;
	v7 =	vmov v11  }
0x1c6: {  	s1 =	sor.u32 $0xB0, s1;
	v11 =	vld [tilespmem:s2+$0x1C700];
	v3 =	vmov v17  }
0x1c7: {  	v12 =	vld [tilespmem:s4+$0x1C700];
	v0 =	vadd.f32 v13, v0  }
0x1c8: {  	s2 =	sand.u32 $0xFC0, s0;
	s0 =	sadd.s32 $0x40, s0;
	v13 =	vld [tilespmem:s9+$0x1C700]  }
0x1c9: {  	v14 =	vld [tilespmem:s2+$0x1B700]  }
0x1ca: {  	p0 =	por !p0, !p0;
	s0 =	simm.s32 $0x1  }
0x1cb: {  	s0 =	simm.s32 @!p0 $0x0  }
0x1cc: {  	v15 =	vld [tilespmem:s1+$0x1C700];
	s28 =	sadd.s32 $0x80, s26;
	s0 =	sshll.u32 s0, $0x6  }
0x1cd: {  	v8 =	vld.idx.msk [tilespmem:v8+s3+$0x0], $0xffff;
	s0 =	sadd.s32 s0, s28  }
0x1ce: {  	v7 =	vld.idx.msk [tilespmem:v7+s3+$0x0], $0xffff;
	s1 =	sor.u32 $0x80, s0  }
0x1cf: {  	s29 =	sor.u32 $0x90, s0;
	v16 =	vld [tilespmem:s1+$0x1C700]  }
0x1d0: {  	v17 =	vld [tilespmem:s29+$0x1C700]  }
0x1d1: {  	v14 =	vld.idx.msk [tilespmem:v14+s3+$0x0], $0xffff  }
0x1d2: {  	v3 =	vld.idx.msk [tilespmem:v3+s3+$0x0], $0xffff;
	v10 =	vsub.f32 v11, v10;
	s30 =	sor.u32 $0xA0, s0  }
0x1d3: {  	v4 =	vsub.f32 v12, v4;
	s0 =	sor.u32 $0xB0, s0;
	v56 =	vld [tilespmem:s30+$0x1C700]  }
0x1d4: {  	v10 =	vmul.f32 v10, v10;
	v58 =	vld [tilespmem:s0+$0x1C700]  }
0x1d5: {  	v5 =	vsub.f32 v13, v5;
	v4 =	vmul.f32 v4, v4;
	v2 =	vsub.f32 v15, v2  }
0x1d6: {  	v8 =	vsub.f32 v17, v8;
	v57 =	vsub.f32 v16, v14  }
0x1d7: {  	v9 =	vadd.f32 v10, v9;
	v5 =	vmul.f32 v5, v5;
	v1 =	vadd.f32 v4, v1  }
0x1d8: {  	v60 =	vsub.f32 v56, v7;
	v61 =	vmul.f32 v8, v8;
	v59 =	vmul.f32 v57, v57  }
0x1d9: {  	v2 =	vmul.f32 v2, v2;
	v5 =	vadd.f32 v5, v6;
	v3 =	vsub.f32 v58, v3  }
0x1da: {  	v4 =	vmul.f32 v60, v60;
	v1 =	vadd.f32 v61, v1;
	v62 =	vadd.f32 v59, v9  }
0x1db: {  	v0 =	vadd.f32 v2, v0  }
0x1dc: {  	v3 =	vmul.f32 v3, v3;
	v63 =	vadd.f32 v4, v5;
	v1 =	vadd.f32 v1, v62;
	_ =	sdelay $0x1  }
0x1dd: {  	v0 =	vadd.f32 v3, v0;
	v1 =	vadd.f32 v63, v1;
	_ =	sdelay $0x1  }
0x1de: {  	s25 =	sadd.s32 $0x1, s25;
	v0 =	vadd.f32 v0, v1  }
0x1df: {  	p0 =	sne.s32 s25, s15  }
.Ltmp16:
0x1e0: {  	s31 =	simm.s32 $0x1E700;
	[tilespmem:$0x1E700] =	vst v0;
	(pc) =	sbr.rel @p0 .LBB2_1-.Ltmp16, $4  }
0x1e1: {  	[hbm4b:s14+s3] =	stream.linear.scatter [tilespmem:s31], [sflag:$0x5], $0x80, $0x38;
	[tilespmem:$0x1E780] =	vst v63  }
0x1e2: {  	_ =	swait.ge [sflag:s24], $0x80  }
0x1e3: {  	[sflag:s24] =	ssyncset.done $0x0  }
0x1e4: {  	[sflag:s24] =	ssyncadd.s32 $0xFFFFFF80  }
0x1e5: {  	_ =	sfence.sel $0x180000  }
0x1e6: {  	[bflag:$0x0] =	sbarrier.arrive $0xFFFF  }
0x1e7: {  	_ =	strace $0x90000047  }
0x1e8: {  	s0 =	stileid.u32;
	[bflag:$0x2] =	sbarrier.arrive $0xFFFF  }
0x1e9: {  	p0 =	sne.s32 s0, $0x0;
	s0 =	rddreg [dreg:$0x4]  }
0x1ea: {  	s0 =	sadd.s32 @!p0 $0x100000, s0  }
0x1eb: {  	[sflag:s0] =	ssyncadd.tile.s32 @!p0 $0x1;
	_ =	shalt  }
.Lfunc_end2:
_tile_overlayer_lowered:
.L_overlay_start_2:
0x1ec: {  	(tag) =	ssettag $0x2  }
0x1ed: {  	s0 =	rddreg [dreg:$0x0];
	s2 =	stileid.u32  }
0x1ee: {  	s1 =	rddreg [dreg:$0x1];
	p0 =	sne.s32 s2, $0x0  }
0x1ef: {  	s3 =	rddreg [dreg:$0x2];
	[bflag:$0x3] =	sbarrier.arrive $0xFFFF;
	s2 =	simm.s32 @!p0 $0x1C05  }
0x1f0: {  	[timem:s3], [sflag:s2] =	dma.local @!p0 [hbm:s0], s1  }
0x1f1: {  	s0 =	simm.s32 @!p0 $0x5  }
0x1f2: {  	_ =	swait.ge @!p0 [sflag:s0], s1  }
0x1f3: {  	s1 =	ssub.s32 @!p0 $0x0, s1;
	[sflag:s0] =	ssyncset.done @!p0 $0x0  }
0x1f4: {  	[sflag:s0] =	ssyncadd.s32 @!p0 s1  }
0x1f5: {  	[bflag:$0x3] =	sbarrier.arrive $0xFFFF  }
0x1f6: {  	_ =	shalt  }

</sc_bundles>
